<compile_context>
chip_gen: v7x
topology: tpu7x:2x2x1
jax: 0.10.2.dev20260603
libtpu: 0.0.44.dev20260713+nightly
codegen_flags: <defaults>
</compile_context>

<pallas_src>
import functools

import jax
import jax.numpy as jnp
from jax import lax
from jax.experimental import pallas as pl
from jax.experimental.pallas import tpu as pltpu
from jax.experimental.pallas import tpu_sc as plsc

_NW = 32
_BPW = 512
_ROW_Y, _ROW_1 = 7, 8


def _sc_gather_body(tm, td, tw, ts, ti, mi, di, wi, si, ii,
                    em, ed, ew, es, ei,
                    ia, ib, ic, id_, ie, r16a, r16b, r16c, r16d, r32,
                    tmv, tdv, twv, tsv, tiv, sem_i, sem_g, sem_w):
    sid = lax.axis_index("s")
    wid = sid * 2 + lax.axis_index("c")
    base = wid * _BPW

    @pl.when(sid == 0)
    def _stage():
        hs = [pltpu.async_copy(tbl_hbm, tbl_v, sem_i)
              for tbl_hbm, tbl_v in ((tm, tmv), (td, tdv), (tw, twv),
                                     (ts, tsv), (ti, tiv))]
        for h in hs:
            h.wait()

    plsc.subcore_barrier()
    work = ((mi, ia, tmv, r16a, em), (di, ib, tdv, r16b, ed),
            (wi, ic, twv, r16c, ew), (si, id_, tsv, r16d, es),
            (ii, ie, tiv, r32, ei))
    hs = [pltpu.async_copy(idx_hbm.at[pl.ds(base, _BPW)], idx_v, sem_i)
          for idx_hbm, idx_v, _, _, _ in work]
    for h in hs:
        h.wait()
    hs = [pltpu.async_copy(tbl_v.at[idx_v], rows_v, sem_g)
          for _, idx_v, tbl_v, rows_v, _ in work]
    for h in hs:
        h.wait()
    hs = [pltpu.async_copy(rows_v, e_hbm.at[pl.ds(base, _BPW)], sem_w)
          for _, _, _, rows_v, e_hbm in work]
    for h in hs:
        h.wait()


def _dgT(a, b):
    return lax.dot_general(a, b, (((0,), (0,)), ((), ())),
                           preferred_element_type=jnp.float32)


def _mlp_body(em_ref, ed_ref, ew_ref, es_ref, ei_ref, year_ref,
              w1_ref, b1_ref, w2_ref, b2_ref, w3_ref, b3_ref,
              out_ref, w1a_ref, w2e_ref, w3e_ref):
    i = pl.program_id(0)

    @pl.when(i == 0)
    def _assemble():
        w1a_ref[...] = jnp.zeros_like(w1a_ref)
        w1a_ref[0:7, 0:100] = w1_ref[1:8, :]
        w1a_ref[_ROW_Y:_ROW_Y + 1, 0:100] = w1_ref[0:1, :]
        w1a_ref[_ROW_1:_ROW_1 + 1, 0:100] = b1_ref[...][None, :]
        w1a_ref[_ROW_1:_ROW_1 + 1, 100:101] = jnp.ones((1, 1), jnp.float32)
        w1a_ref[16:32, 0:100] = w1_ref[8:24, :]
        w1a_ref[32:36, 0:100] = w1_ref[24:28, :]
        w1a_ref[48:54, 0:100] = w1_ref[28:34, :]
        w1a_ref[64:90, 0:100] = w1_ref[34:60, :]
        w2e_ref[...] = jnp.zeros_like(w2e_ref)
        w2e_ref[0:100, 0:10] = w2_ref[...]
        w2e_ref[100:101, 0:10] = b2_ref[...][None, :]
        w2e_ref[100:101, 10:11] = jnp.ones((1, 1), jnp.float32)
        w3e_ref[...] = jnp.zeros_like(w3e_ref)
        w3e_ref[0:10, 0:1] = w3_ref[...]
        w3e_ref[10:11, 0:1] = b3_ref[...][None, :]

    bblk = year_ref.shape[1]
    riota = lax.broadcasted_iota(jnp.int32, (16, bblk), 0)
    emt = em_ref[...].T
    emt = jnp.where(riota == _ROW_Y, year_ref[...], emt)
    emt = jnp.where(riota == _ROW_1, 1.0, emt)
    et = jnp.concatenate(
        [emt, ed_ref[...].T, ew_ref[...].T, es_ref[...].T, ei_ref[...].T],
        axis=0)
    h1 = jnp.maximum(_dgT(w1a_ref[...], et), 0.0)
    h2 = jnp.maximum(_dgT(w2e_ref[...], h1), 0.0)
    out_ref[...] = _dgT(w3e_ref[...], h2)


def kernel(year, month, day, weekday, stores, items, emb_month, emb_day,
           emb_weekday, emb_stores, emb_items, W1, b1, W2, b2, W3, b3):
    B = year.shape[0]

    pad = lambda t, w: jnp.pad(t, ((0, 0), (0, w - t.shape[1])))
    tm, td = pad(emb_month, 16), pad(emb_day, 16)
    tw, ts = pad(emb_weekday, 16), pad(emb_stores, 16)
    ti = pad(emb_items, 32)

    mesh = plsc.VectorSubcoreMesh(core_axis_name="c", subcore_axis_name="s")
    e16 = jax.ShapeDtypeStruct((B, 16), jnp.float32)
    sc_gather = functools.partial(
        pl.kernel, mesh=mesh,
        out_type=(e16, e16, e16, e16,
                  jax.ShapeDtypeStruct((B, 32), jnp.float32)),
        scratch_types=[pltpu.VMEM((_BPW,), jnp.int32)] * 5
        + [pltpu.VMEM((_BPW, 16), jnp.float32)] * 4
        + [pltpu.VMEM((_BPW, 32), jnp.float32),
           pltpu.VMEM_SHARED((13, 16), jnp.float32),
           pltpu.VMEM_SHARED((32, 16), jnp.float32),
           pltpu.VMEM_SHARED((8, 16), jnp.float32),
           pltpu.VMEM_SHARED((11, 16), jnp.float32),
           pltpu.VMEM_SHARED((51, 32), jnp.float32),
           pltpu.SemaphoreType.DMA, pltpu.SemaphoreType.DMA,
           pltpu.SemaphoreType.DMA],
        compiler_params=pltpu.CompilerParams(use_tc_tiling_on_sc=False),
    )(_sc_gather_body)
    em, ed, ew, es, ei = sc_gather(
        tm, td, tw, ts, ti, month.reshape(B), day.reshape(B),
        weekday.reshape(B), stores.reshape(B), items.reshape(B))

    bblk = B
    row = pl.BlockSpec((1, bblk), lambda i: (0, i))
    eblk = lambda s: pl.BlockSpec((bblk, s[1]), lambda i: (i, 0))
    full = lambda s: pl.BlockSpec(s, lambda i: (0,) * len(s))
    out = pl.pallas_call(
        _mlp_body,
        grid=(B // bblk,),
        in_specs=[eblk((B, 16))] * 4 + [eblk((B, 32)), row,
                  full(W1.shape), full(b1.shape), full(W2.shape),
                  full(b2.shape), full(W3.shape), full(b3.shape)],
        out_specs=row,
        out_shape=jax.ShapeDtypeStruct((1, B), jnp.float32),
        scratch_shapes=[pltpu.VMEM((96, 104), jnp.float32),
                        pltpu.VMEM((104, 16), jnp.float32),
                        pltpu.VMEM((16, 1), jnp.float32)],
        compiler_params=pltpu.CompilerParams(
            dimension_semantics=("arbitrary",)),
    )(em, ed, ew, es, ei, year.reshape(1, B),
      W1, b1, W2, b2, W3, b3)
    return out.reshape(B, 1)

# --- scband reference (transcript-rebuilt; emitter-appended) ---
"""Pipeline reference for scband-nnwith-embeddings-16449724744585 (READ-ONLY COPY).

The authoritative reference and input builder live on the scoring server;
editing this copy changes nothing except your own understanding.
"""

import jax, jax.numpy as jnp
import numpy as np

B = 16384


def setup_inputs(seed: int = 0) -> dict:
    key = jax.random.key(seed)
    ks = jax.random.split(key, 18)
    inp = {}
    inp["year"] = jax.random.normal(ks[0], (B, 1), dtype=jnp.float32)
    inp["month"] = jax.random.randint(ks[1], (B, 1), 0, 13, dtype=jnp.int32)
    inp["day"] = jax.random.randint(ks[2], (B, 1), 0, 32, dtype=jnp.int32)
    inp["weekday"] = jax.random.randint(ks[3], (B, 1), 0, 8, dtype=jnp.int32)
    inp["stores"] = jax.random.randint(ks[4], (B, 1), 0, 11, dtype=jnp.int32)
    inp["items"] = jax.random.randint(ks[5], (B, 1), 0, 51, dtype=jnp.int32)
    # learned parameters (Keras Embedding tables + Dense layers)
    inp["emb_month"] = jax.random.normal(ks[6], (13, 7), dtype=jnp.float32) * 0.05
    inp["emb_day"] = jax.random.normal(ks[7], (32, 16), dtype=jnp.float32) * 0.05
    inp["emb_weekday"] = jax.random.normal(ks[8], (8, 4), dtype=jnp.float32) * 0.05
    inp["emb_stores"] = jax.random.normal(ks[9], (11, 6), dtype=jnp.float32) * 0.05
    inp["emb_items"] = jax.random.normal(ks[10], (51, 26), dtype=jnp.float32) * 0.05
    d_in = 1 + 7 + 16 + 4 + 6 + 26  # 60
    inp["W1"] = jax.random.normal(ks[11], (d_in, 100), dtype=jnp.float32) * (1.0 / np.sqrt(d_in))
    inp["b1"] = jnp.zeros((100,), dtype=jnp.float32)
    inp["W2"] = jax.random.normal(ks[12], (100, 10), dtype=jnp.float32) * 0.1
    inp["b2"] = jnp.zeros((10,), dtype=jnp.float32)
    inp["W3"] = jax.random.normal(ks[13], (10, 1), dtype=jnp.float32) * 0.3
    inp["b3"] = jnp.zeros((1,), dtype=jnp.float32)
    return inp


def reference(year, month, day, weekday, stores, items,
              emb_month, emb_day, emb_weekday, emb_stores, emb_items,
              W1, b1, W2, b2, W3, b3):
    # embedding lookups (Embedding + Reshape in the Keras graph)
    m = jnp.take(emb_month, month[:, 0], axis=0)
    d = jnp.take(emb_day, day[:, 0], axis=0)
    w = jnp.take(emb_weekday, weekday[:, 0], axis=0)
    s = jnp.take(emb_stores, stores[:, 0], axis=0)
    it = jnp.take(emb_items, items[:, 0], axis=0)
    # Concatenate raw year with all embeddings
    h = jnp.concatenate([year, m, d, w, s, it], axis=1)
    # Dense(100) -> relu -> Dense(10) -> relu -> Dense(1)
    h = jax.nn.relu(h @ W1 + b1)
    h = jax.nn.relu(h @ W2 + b2)
    out = h @ W3 + b3
    return out

if __name__ == "__main__":
    import jax
    _d = setup_inputs()
    print(jax.jit(kernel)(*tuple(_d.values())))

</pallas_src>

<mosaic_0001>
#map = affine_map<(d0, d1) -> (0, 0)>
#map1 = affine_map<(d0, d1) -> (0)>
module attributes {stable_mosaic.version = 14 : i64} {
  func.func @_sc_gather_body(%arg0: i32, %arg1: i32, %arg2: memref<13x16xf32, #tpu.memory_space<hbm>>, %arg3: memref<32x16xf32, #tpu.memory_space<hbm>>, %arg4: memref<8x16xf32, #tpu.memory_space<hbm>>, %arg5: memref<11x16xf32, #tpu.memory_space<hbm>>, %arg6: memref<51x32xf32, #tpu.memory_space<hbm>>, %arg7: memref<16384xi32, #tpu.memory_space<hbm>>, %arg8: memref<16384xi32, #tpu.memory_space<hbm>>, %arg9: memref<16384xi32, #tpu.memory_space<hbm>>, %arg10: memref<16384xi32, #tpu.memory_space<hbm>>, %arg11: memref<16384xi32, #tpu.memory_space<hbm>>, %arg12: memref<16384x16xf32, #tpu.memory_space<hbm>>, %arg13: memref<16384x16xf32, #tpu.memory_space<hbm>>, %arg14: memref<16384x16xf32, #tpu.memory_space<hbm>>, %arg15: memref<16384x16xf32, #tpu.memory_space<hbm>>, %arg16: memref<16384x32xf32, #tpu.memory_space<hbm>>, %arg17: memref<512xi32, #tpu.memory_space<vmem>>, %arg18: memref<512xi32, #tpu.memory_space<vmem>>, %arg19: memref<512xi32, #tpu.memory_space<vmem>>, %arg20: memref<512xi32, #tpu.memory_space<vmem>>, %arg21: memref<512xi32, #tpu.memory_space<vmem>>, %arg22: memref<512x16xf32, #tpu.memory_space<vmem>>, %arg23: memref<512x16xf32, #tpu.memory_space<vmem>>, %arg24: memref<512x16xf32, #tpu.memory_space<vmem>>, %arg25: memref<512x16xf32, #tpu.memory_space<vmem>>, %arg26: memref<512x32xf32, #tpu.memory_space<vmem>>, %arg27: memref<13x16xf32, #tpu.memory_space<vmem_shared>>, %arg28: memref<32x16xf32, #tpu.memory_space<vmem_shared>>, %arg29: memref<8x16xf32, #tpu.memory_space<vmem_shared>>, %arg30: memref<11x16xf32, #tpu.memory_space<vmem_shared>>, %arg31: memref<51x32xf32, #tpu.memory_space<vmem_shared>>, %arg32: memref<!tpu.dma_semaphore, #tpu.memory_space<semaphore_mem>>, %arg33: memref<!tpu.dma_semaphore, #tpu.memory_space<semaphore_mem>>, %arg34: memref<!tpu.dma_semaphore, #tpu.memory_space<semaphore_mem>>) attributes {dimension_semantics = [#tpu.dimension_semantics<core_parallel>, #tpu.dimension_semantics<subcore_parallel>], iteration_bounds = array<i64: 2, 16>, scalar_prefetch = 0 : i64, scratch_operands = 18 : i64, tpu.core_type = #tpu.core_type<sc_vector_subcore>, window_params = [{transform_indices = #map}, {transform_indices = #map}, {transform_indices = #map}, {transform_indices = #map}, {transform_indices = #map}, {transform_indices = #map1}, {transform_indices = #map1}, {transform_indices = #map1}, {transform_indices = #map1}, {transform_indices = #map1}, {transform_indices = #map}, {transform_indices = #map}, {transform_indices = #map}, {transform_indices = #map}, {transform_indices = #map}]} {
    %mul3A = arith.constant 2 : i32
    %mul3A_0 = arith.muli %arg1, %mul3A : i32
    %add3A = arith.addi %mul3A_0, %arg0 : i32
    %mul3A_1 = arith.constant 512 : i32
    %mul3A_2 = arith.muli %add3A, %mul3A_1 : i32
    %eq3A = arith.constant 0 : i32
    %eq3A_3 = arith.cmpi eq, %arg1, %eq3A : i32
    %convert_element_type3A = arith.extui %eq3A_3 : i1 to i32
    %cond3A = arith.constant 0 : i32
    %cond3A_4 = arith.cmpi ne, %convert_element_type3A, %cond3A : i32
    scf.if %cond3A_4 {
      tpu.enqueue_dma source(%arg2 : memref<13x16xf32, #tpu.memory_space<hbm>>) target(%arg27 : memref<13x16xf32, #tpu.memory_space<vmem_shared>>) target_semaphore(%arg32 : memref<!tpu.dma_semaphore, #tpu.memory_space<semaphore_mem>>)
      tpu.enqueue_dma source(%arg3 : memref<32x16xf32, #tpu.memory_space<hbm>>) target(%arg28 : memref<32x16xf32, #tpu.memory_space<vmem_shared>>) target_semaphore(%arg32 : memref<!tpu.dma_semaphore, #tpu.memory_space<semaphore_mem>>)
      tpu.enqueue_dma source(%arg4 : memref<8x16xf32, #tpu.memory_space<hbm>>) target(%arg29 : memref<8x16xf32, #tpu.memory_space<vmem_shared>>) target_semaphore(%arg32 : memref<!tpu.dma_semaphore, #tpu.memory_space<semaphore_mem>>)
      tpu.enqueue_dma source(%arg5 : memref<11x16xf32, #tpu.memory_space<hbm>>) target(%arg30 : memref<11x16xf32, #tpu.memory_space<vmem_shared>>) target_semaphore(%arg32 : memref<!tpu.dma_semaphore, #tpu.memory_space<semaphore_mem>>)
      tpu.enqueue_dma source(%arg6 : memref<51x32xf32, #tpu.memory_space<hbm>>) target(%arg31 : memref<51x32xf32, #tpu.memory_space<vmem_shared>>) target_semaphore(%arg32 : memref<!tpu.dma_semaphore, #tpu.memory_space<semaphore_mem>>)
      tpu.wait_dma2 semaphore(%arg32 : memref<!tpu.dma_semaphore, #tpu.memory_space<semaphore_mem>>) src(%arg2 : memref<13x16xf32, #tpu.memory_space<hbm>>) dst(%arg27 : memref<13x16xf32, #tpu.memory_space<vmem_shared>>)
      tpu.wait_dma2 semaphore(%arg32 : memref<!tpu.dma_semaphore, #tpu.memory_space<semaphore_mem>>) src(%arg3 : memref<32x16xf32, #tpu.memory_space<hbm>>) dst(%arg28 : memref<32x16xf32, #tpu.memory_space<vmem_shared>>)
      tpu.wait_dma2 semaphore(%arg32 : memref<!tpu.dma_semaphore, #tpu.memory_space<semaphore_mem>>) src(%arg4 : memref<8x16xf32, #tpu.memory_space<hbm>>) dst(%arg29 : memref<8x16xf32, #tpu.memory_space<vmem_shared>>)
      tpu.wait_dma2 semaphore(%arg32 : memref<!tpu.dma_semaphore, #tpu.memory_space<semaphore_mem>>) src(%arg5 : memref<11x16xf32, #tpu.memory_space<hbm>>) dst(%arg30 : memref<11x16xf32, #tpu.memory_space<vmem_shared>>)
      tpu.wait_dma2 semaphore(%arg32 : memref<!tpu.dma_semaphore, #tpu.memory_space<semaphore_mem>>) src(%arg6 : memref<51x32xf32, #tpu.memory_space<hbm>>) dst(%arg31 : memref<51x32xf32, #tpu.memory_space<vmem_shared>>)
    } else {
    }
    %barrier3A = arith.constant 0 : index
    tpu.barrier barrier_id(%barrier3A)
    %dma_start3A = tpu.memref_slice %arg7[%mul3A_2] : memref<16384xi32, #tpu.memory_space<hbm>> -> memref<512xi32, #tpu.memory_space<hbm>>
    %dma_start3A_5 = tpu.memref_slice %arg7[%mul3A_2] : memref<16384xi32, #tpu.memory_space<hbm>> -> memref<512xi32, #tpu.memory_space<hbm>>
    tpu.enqueue_dma source(%dma_start3A_5 : memref<512xi32, #tpu.memory_space<hbm>>) target(%arg17 : memref<512xi32, #tpu.memory_space<vmem>>) target_semaphore(%arg32 : memref<!tpu.dma_semaphore, #tpu.memory_space<semaphore_mem>>)
    %dma_start3A_6 = tpu.memref_slice %arg8[%mul3A_2] : memref<16384xi32, #tpu.memory_space<hbm>> -> memref<512xi32, #tpu.memory_space<hbm>>
    %dma_start3A_7 = tpu.memref_slice %arg8[%mul3A_2] : memref<16384xi32, #tpu.memory_space<hbm>> -> memref<512xi32, #tpu.memory_space<hbm>>
    tpu.enqueue_dma source(%dma_start3A_7 : memref<512xi32, #tpu.memory_space<hbm>>) target(%arg18 : memref<512xi32, #tpu.memory_space<vmem>>) target_semaphore(%arg32 : memref<!tpu.dma_semaphore, #tpu.memory_space<semaphore_mem>>)
    %dma_start3A_8 = tpu.memref_slice %arg9[%mul3A_2] : memref<16384xi32, #tpu.memory_space<hbm>> -> memref<512xi32, #tpu.memory_space<hbm>>
    %dma_start3A_9 = tpu.memref_slice %arg9[%mul3A_2] : memref<16384xi32, #tpu.memory_space<hbm>> -> memref<512xi32, #tpu.memory_space<hbm>>
    tpu.enqueue_dma source(%dma_start3A_9 : memref<512xi32, #tpu.memory_space<hbm>>) target(%arg19 : memref<512xi32, #tpu.memory_space<vmem>>) target_semaphore(%arg32 : memref<!tpu.dma_semaphore, #tpu.memory_space<semaphore_mem>>)
    %dma_start3A_10 = tpu.memref_slice %arg10[%mul3A_2] : memref<16384xi32, #tpu.memory_space<hbm>> -> memref<512xi32, #tpu.memory_space<hbm>>
    %dma_start3A_11 = tpu.memref_slice %arg10[%mul3A_2] : memref<16384xi32, #tpu.memory_space<hbm>> -> memref<512xi32, #tpu.memory_space<hbm>>
    tpu.enqueue_dma source(%dma_start3A_11 : memref<512xi32, #tpu.memory_space<hbm>>) target(%arg20 : memref<512xi32, #tpu.memory_space<vmem>>) target_semaphore(%arg32 : memref<!tpu.dma_semaphore, #tpu.memory_space<semaphore_mem>>)
    %dma_start3A_12 = tpu.memref_slice %arg11[%mul3A_2] : memref<16384xi32, #tpu.memory_space<hbm>> -> memref<512xi32, #tpu.memory_space<hbm>>
    %dma_start3A_13 = tpu.memref_slice %arg11[%mul3A_2] : memref<16384xi32, #tpu.memory_space<hbm>> -> memref<512xi32, #tpu.memory_space<hbm>>
    tpu.enqueue_dma source(%dma_start3A_13 : memref<512xi32, #tpu.memory_space<hbm>>) target(%arg21 : memref<512xi32, #tpu.memory_space<vmem>>) target_semaphore(%arg32 : memref<!tpu.dma_semaphore, #tpu.memory_space<semaphore_mem>>)
    %dma_wait3A = tpu.memref_slice %arg7[%mul3A_2] : memref<16384xi32, #tpu.memory_space<hbm>> -> memref<512xi32, #tpu.memory_space<hbm>>
    %dma_wait3A_14 = tpu.memref_slice %arg7[%mul3A_2] : memref<16384xi32, #tpu.memory_space<hbm>> -> memref<512xi32, #tpu.memory_space<hbm>>
    tpu.wait_dma2 semaphore(%arg32 : memref<!tpu.dma_semaphore, #tpu.memory_space<semaphore_mem>>) src(%dma_wait3A_14 : memref<512xi32, #tpu.memory_space<hbm>>) dst(%arg17 : memref<512xi32, #tpu.memory_space<vmem>>)
    %dma_wait3A_15 = tpu.memref_slice %arg8[%mul3A_2] : memref<16384xi32, #tpu.memory_space<hbm>> -> memref<512xi32, #tpu.memory_space<hbm>>
    %dma_wait3A_16 = tpu.memref_slice %arg8[%mul3A_2] : memref<16384xi32, #tpu.memory_space<hbm>> -> memref<512xi32, #tpu.memory_space<hbm>>
    tpu.wait_dma2 semaphore(%arg32 : memref<!tpu.dma_semaphore, #tpu.memory_space<semaphore_mem>>) src(%dma_wait3A_16 : memref<512xi32, #tpu.memory_space<hbm>>) dst(%arg18 : memref<512xi32, #tpu.memory_space<vmem>>)
    %dma_wait3A_17 = tpu.memref_slice %arg9[%mul3A_2] : memref<16384xi32, #tpu.memory_space<hbm>> -> memref<512xi32, #tpu.memory_space<hbm>>
    %dma_wait3A_18 = tpu.memref_slice %arg9[%mul3A_2] : memref<16384xi32, #tpu.memory_space<hbm>> -> memref<512xi32, #tpu.memory_space<hbm>>
    tpu.wait_dma2 semaphore(%arg32 : memref<!tpu.dma_semaphore, #tpu.memory_space<semaphore_mem>>) src(%dma_wait3A_18 : memref<512xi32, #tpu.memory_space<hbm>>) dst(%arg19 : memref<512xi32, #tpu.memory_space<vmem>>)
    %dma_wait3A_19 = tpu.memref_slice %arg10[%mul3A_2] : memref<16384xi32, #tpu.memory_space<hbm>> -> memref<512xi32, #tpu.memory_space<hbm>>
    %dma_wait3A_20 = tpu.memref_slice %arg10[%mul3A_2] : memref<16384xi32, #tpu.memory_space<hbm>> -> memref<512xi32, #tpu.memory_space<hbm>>
    tpu.wait_dma2 semaphore(%arg32 : memref<!tpu.dma_semaphore, #tpu.memory_space<semaphore_mem>>) src(%dma_wait3A_20 : memref<512xi32, #tpu.memory_space<hbm>>) dst(%arg20 : memref<512xi32, #tpu.memory_space<vmem>>)
    %dma_wait3A_21 = tpu.memref_slice %arg11[%mul3A_2] : memref<16384xi32, #tpu.memory_space<hbm>> -> memref<512xi32, #tpu.memory_space<hbm>>
    %dma_wait3A_22 = tpu.memref_slice %arg11[%mul3A_2] : memref<16384xi32, #tpu.memory_space<hbm>> -> memref<512xi32, #tpu.memory_space<hbm>>
    tpu.wait_dma2 semaphore(%arg32 : memref<!tpu.dma_semaphore, #tpu.memory_space<semaphore_mem>>) src(%dma_wait3A_22 : memref<512xi32, #tpu.memory_space<hbm>>) dst(%arg21 : memref<512xi32, #tpu.memory_space<vmem>>)
    %dma_start3A_23 = arith.constant 0 : i32
    %dma_start3A_24 = arith.constant 0 : i32
    %dma_start3A_25 = tpu.memref_slice %arg27[%dma_start3A_23, %dma_start3A_24] : memref<13x16xf32, #tpu.memory_space<vmem_shared>> -> memref<13x16xf32, #tpu.memory_space<vmem_shared>>
    tpu.enqueue_indirect_dma source(%dma_start3A_25 : memref<13x16xf32, #tpu.memory_space<vmem_shared>>) target(%arg22 : memref<512x16xf32, #tpu.memory_space<vmem>>) offsets(%arg17 : memref<512xi32, #tpu.memory_space<vmem>>) semaphore(%arg33 : memref<!tpu.dma_semaphore, #tpu.memory_space<semaphore_mem>>)
    %dma_start3A_26 = arith.constant 0 : i32
    %dma_start3A_27 = arith.constant 0 : i32
    %dma_start3A_28 = tpu.memref_slice %arg28[%dma_start3A_26, %dma_start3A_27] : memref<32x16xf32, #tpu.memory_space<vmem_shared>> -> memref<32x16xf32, #tpu.memory_space<vmem_shared>>
    tpu.enqueue_indirect_dma source(%dma_start3A_28 : memref<32x16xf32, #tpu.memory_space<vmem_shared>>) target(%arg23 : memref<512x16xf32, #tpu.memory_space<vmem>>) offsets(%arg18 : memref<512xi32, #tpu.memory_space<vmem>>) semaphore(%arg33 : memref<!tpu.dma_semaphore, #tpu.memory_space<semaphore_mem>>)
    %dma_start3A_29 = arith.constant 0 : i32
    %dma_start3A_30 = arith.constant 0 : i32
    %dma_start3A_31 = tpu.memref_slice %arg29[%dma_start3A_29, %dma_start3A_30] : memref<8x16xf32, #tpu.memory_space<vmem_shared>> -> memref<8x16xf32, #tpu.memory_space<vmem_shared>>
    tpu.enqueue_indirect_dma source(%dma_start3A_31 : memref<8x16xf32, #tpu.memory_space<vmem_shared>>) target(%arg24 : memref<512x16xf32, #tpu.memory_space<vmem>>) offsets(%arg19 : memref<512xi32, #tpu.memory_space<vmem>>) semaphore(%arg33 : memref<!tpu.dma_semaphore, #tpu.memory_space<semaphore_mem>>)
    %dma_start3A_32 = arith.constant 0 : i32
    %dma_start3A_33 = arith.constant 0 : i32
    %dma_start3A_34 = tpu.memref_slice %arg30[%dma_start3A_32, %dma_start3A_33] : memref<11x16xf32, #tpu.memory_space<vmem_shared>> -> memref<11x16xf32, #tpu.memory_space<vmem_shared>>
    tpu.enqueue_indirect_dma source(%dma_start3A_34 : memref<11x16xf32, #tpu.memory_space<vmem_shared>>) target(%arg25 : memref<512x16xf32, #tpu.memory_space<vmem>>) offsets(%arg20 : memref<512xi32, #tpu.memory_space<vmem>>) semaphore(%arg33 : memref<!tpu.dma_semaphore, #tpu.memory_space<semaphore_mem>>)
    %dma_start3A_35 = arith.constant 0 : i32
    %dma_start3A_36 = arith.constant 0 : i32
    %dma_start3A_37 = tpu.memref_slice %arg31[%dma_start3A_35, %dma_start3A_36] : memref<51x32xf32, #tpu.memory_space<vmem_shared>> -> memref<51x32xf32, #tpu.memory_space<vmem_shared>>
    tpu.enqueue_indirect_dma source(%dma_start3A_37 : memref<51x32xf32, #tpu.memory_space<vmem_shared>>) target(%arg26 : memref<512x32xf32, #tpu.memory_space<vmem>>) offsets(%arg21 : memref<512xi32, #tpu.memory_space<vmem>>) semaphore(%arg33 : memref<!tpu.dma_semaphore, #tpu.memory_space<semaphore_mem>>)
    %dma_wait3A_38 = arith.constant 0 : i32
    %dma_wait3A_39 = arith.constant 0 : i32
    %dma_wait3A_40 = tpu.memref_slice %arg27[%dma_wait3A_38, %dma_wait3A_39] : memref<13x16xf32, #tpu.memory_space<vmem_shared>> -> memref<13x16xf32, #tpu.memory_space<vmem_shared>>
    tpu.wait_indirect_dma semaphore(%arg33 : memref<!tpu.dma_semaphore, #tpu.memory_space<semaphore_mem>>) src(%dma_wait3A_40 : memref<13x16xf32, #tpu.memory_space<vmem_shared>>) dst(%arg22 : memref<512x16xf32, #tpu.memory_space<vmem>>)
    %dma_wait3A_41 = arith.constant 0 : i32
    %dma_wait3A_42 = arith.constant 0 : i32
    %dma_wait3A_43 = tpu.memref_slice %arg28[%dma_wait3A_41, %dma_wait3A_42] : memref<32x16xf32, #tpu.memory_space<vmem_shared>> -> memref<32x16xf32, #tpu.memory_space<vmem_shared>>
    tpu.wait_indirect_dma semaphore(%arg33 : memref<!tpu.dma_semaphore, #tpu.memory_space<semaphore_mem>>) src(%dma_wait3A_43 : memref<32x16xf32, #tpu.memory_space<vmem_shared>>) dst(%arg23 : memref<512x16xf32, #tpu.memory_space<vmem>>)
    %dma_wait3A_44 = arith.constant 0 : i32
    %dma_wait3A_45 = arith.constant 0 : i32
    %dma_wait3A_46 = tpu.memref_slice %arg29[%dma_wait3A_44, %dma_wait3A_45] : memref<8x16xf32, #tpu.memory_space<vmem_shared>> -> memref<8x16xf32, #tpu.memory_space<vmem_shared>>
    tpu.wait_indirect_dma semaphore(%arg33 : memref<!tpu.dma_semaphore, #tpu.memory_space<semaphore_mem>>) src(%dma_wait3A_46 : memref<8x16xf32, #tpu.memory_space<vmem_shared>>) dst(%arg24 : memref<512x16xf32, #tpu.memory_space<vmem>>)
    %dma_wait3A_47 = arith.constant 0 : i32
    %dma_wait3A_48 = arith.constant 0 : i32
    %dma_wait3A_49 = tpu.memref_slice %arg30[%dma_wait3A_47, %dma_wait3A_48] : memref<11x16xf32, #tpu.memory_space<vmem_shared>> -> memref<11x16xf32, #tpu.memory_space<vmem_shared>>
    tpu.wait_indirect_dma semaphore(%arg33 : memref<!tpu.dma_semaphore, #tpu.memory_space<semaphore_mem>>) src(%dma_wait3A_49 : memref<11x16xf32, #tpu.memory_space<vmem_shared>>) dst(%arg25 : memref<512x16xf32, #tpu.memory_space<vmem>>)
    %dma_wait3A_50 = arith.constant 0 : i32
    %dma_wait3A_51 = arith.constant 0 : i32
    %dma_wait3A_52 = tpu.memref_slice %arg31[%dma_wait3A_50, %dma_wait3A_51] : memref<51x32xf32, #tpu.memory_space<vmem_shared>> -> memref<51x32xf32, #tpu.memory_space<vmem_shared>>
    tpu.wait_indirect_dma semaphore(%arg33 : memref<!tpu.dma_semaphore, #tpu.memory_space<semaphore_mem>>) src(%dma_wait3A_52 : memref<51x32xf32, #tpu.memory_space<vmem_shared>>) dst(%arg26 : memref<512x32xf32, #tpu.memory_space<vmem>>)
    %dma_start3A_53 = arith.constant 0 : i32
    %dma_start3A_54 = tpu.memref_slice %arg12[%mul3A_2, %dma_start3A_53] : memref<16384x16xf32, #tpu.memory_space<hbm>> -> memref<512x16xf32, #tpu.memory_space<hbm>>
    %dma_start3A_55 = arith.constant 0 : i32
    %dma_start3A_56 = tpu.memref_slice %arg12[%mul3A_2, %dma_start3A_55] : memref<16384x16xf32, #tpu.memory_space<hbm>> -> memref<512x16xf32, #tpu.memory_space<hbm>>
    tpu.enqueue_dma source(%arg22 : memref<512x16xf32, #tpu.memory_space<vmem>>) target(%dma_start3A_56 : memref<512x16xf32, #tpu.memory_space<hbm>>) target_semaphore(%arg34 : memref<!tpu.dma_semaphore, #tpu.memory_space<semaphore_mem>>)
    %dma_start3A_57 = arith.constant 0 : i32
    %dma_start3A_58 = tpu.memref_slice %arg13[%mul3A_2, %dma_start3A_57] : memref<16384x16xf32, #tpu.memory_space<hbm>> -> memref<512x16xf32, #tpu.memory_space<hbm>>
    %dma_start3A_59 = arith.constant 0 : i32
    %dma_start3A_60 = tpu.memref_slice %arg13[%mul3A_2, %dma_start3A_59] : memref<16384x16xf32, #tpu.memory_space<hbm>> -> memref<512x16xf32, #tpu.memory_space<hbm>>
    tpu.enqueue_dma source(%arg23 : memref<512x16xf32, #tpu.memory_space<vmem>>) target(%dma_start3A_60 : memref<512x16xf32, #tpu.memory_space<hbm>>) target_semaphore(%arg34 : memref<!tpu.dma_semaphore, #tpu.memory_space<semaphore_mem>>)
    %dma_start3A_61 = arith.constant 0 : i32
    %dma_start3A_62 = tpu.memref_slice %arg14[%mul3A_2, %dma_start3A_61] : memref<16384x16xf32, #tpu.memory_space<hbm>> -> memref<512x16xf32, #tpu.memory_space<hbm>>
    %dma_start3A_63 = arith.constant 0 : i32
    %dma_start3A_64 = tpu.memref_slice %arg14[%mul3A_2, %dma_start3A_63] : memref<16384x16xf32, #tpu.memory_space<hbm>> -> memref<512x16xf32, #tpu.memory_space<hbm>>
    tpu.enqueue_dma source(%arg24 : memref<512x16xf32, #tpu.memory_space<vmem>>) target(%dma_start3A_64 : memref<512x16xf32, #tpu.memory_space<hbm>>) target_semaphore(%arg34 : memref<!tpu.dma_semaphore, #tpu.memory_space<semaphore_mem>>)
    %dma_start3A_65 = arith.constant 0 : i32
    %dma_start3A_66 = tpu.memref_slice %arg15[%mul3A_2, %dma_start3A_65] : memref<16384x16xf32, #tpu.memory_space<hbm>> -> memref<512x16xf32, #tpu.memory_space<hbm>>
    %dma_start3A_67 = arith.constant 0 : i32
    %dma_start3A_68 = tpu.memref_slice %arg15[%mul3A_2, %dma_start3A_67] : memref<16384x16xf32, #tpu.memory_space<hbm>> -> memref<512x16xf32, #tpu.memory_space<hbm>>
    tpu.enqueue_dma source(%arg25 : memref<512x16xf32, #tpu.memory_space<vmem>>) target(%dma_start3A_68 : memref<512x16xf32, #tpu.memory_space<hbm>>) target_semaphore(%arg34 : memref<!tpu.dma_semaphore, #tpu.memory_space<semaphore_mem>>)
    %dma_start3A_69 = arith.constant 0 : i32
    %dma_start3A_70 = tpu.memref_slice %arg16[%mul3A_2, %dma_start3A_69] : memref<16384x32xf32, #tpu.memory_space<hbm>> -> memref<512x32xf32, #tpu.memory_space<hbm>>
    %dma_start3A_71 = arith.constant 0 : i32
    %dma_start3A_72 = tpu.memref_slice %arg16[%mul3A_2, %dma_start3A_71] : memref<16384x32xf32, #tpu.memory_space<hbm>> -> memref<512x32xf32, #tpu.memory_space<hbm>>
    tpu.enqueue_dma source(%arg26 : memref<512x32xf32, #tpu.memory_space<vmem>>) target(%dma_start3A_72 : memref<512x32xf32, #tpu.memory_space<hbm>>) target_semaphore(%arg34 : memref<!tpu.dma_semaphore, #tpu.memory_space<semaphore_mem>>)
    %dma_wait3A_73 = arith.constant 0 : i32
    %dma_wait3A_74 = tpu.memref_slice %arg12[%mul3A_2, %dma_wait3A_73] : memref<16384x16xf32, #tpu.memory_space<hbm>> -> memref<512x16xf32, #tpu.memory_space<hbm>>
    %dma_wait3A_75 = arith.constant 0 : i32
    %dma_wait3A_76 = tpu.memref_slice %arg12[%mul3A_2, %dma_wait3A_75] : memref<16384x16xf32, #tpu.memory_space<hbm>> -> memref<512x16xf32, #tpu.memory_space<hbm>>
    tpu.wait_dma2 semaphore(%arg34 : memref<!tpu.dma_semaphore, #tpu.memory_space<semaphore_mem>>) src(%arg22 : memref<512x16xf32, #tpu.memory_space<vmem>>) dst(%dma_wait3A_76 : memref<512x16xf32, #tpu.memory_space<hbm>>)
    %dma_wait3A_77 = arith.constant 0 : i32
    %dma_wait3A_78 = tpu.memref_slice %arg13[%mul3A_2, %dma_wait3A_77] : memref<16384x16xf32, #tpu.memory_space<hbm>> -> memref<512x16xf32, #tpu.memory_space<hbm>>
    %dma_wait3A_79 = arith.constant 0 : i32
    %dma_wait3A_80 = tpu.memref_slice %arg13[%mul3A_2, %dma_wait3A_79] : memref<16384x16xf32, #tpu.memory_space<hbm>> -> memref<512x16xf32, #tpu.memory_space<hbm>>
    tpu.wait_dma2 semaphore(%arg34 : memref<!tpu.dma_semaphore, #tpu.memory_space<semaphore_mem>>) src(%arg23 : memref<512x16xf32, #tpu.memory_space<vmem>>) dst(%dma_wait3A_80 : memref<512x16xf32, #tpu.memory_space<hbm>>)
    %dma_wait3A_81 = arith.constant 0 : i32
    %dma_wait3A_82 = tpu.memref_slice %arg14[%mul3A_2, %dma_wait3A_81] : memref<16384x16xf32, #tpu.memory_space<hbm>> -> memref<512x16xf32, #tpu.memory_space<hbm>>
    %dma_wait3A_83 = arith.constant 0 : i32
    %dma_wait3A_84 = tpu.memref_slice %arg14[%mul3A_2, %dma_wait3A_83] : memref<16384x16xf32, #tpu.memory_space<hbm>> -> memref<512x16xf32, #tpu.memory_space<hbm>>
    tpu.wait_dma2 semaphore(%arg34 : memref<!tpu.dma_semaphore, #tpu.memory_space<semaphore_mem>>) src(%arg24 : memref<512x16xf32, #tpu.memory_space<vmem>>) dst(%dma_wait3A_84 : memref<512x16xf32, #tpu.memory_space<hbm>>)
    %dma_wait3A_85 = arith.constant 0 : i32
    %dma_wait3A_86 = tpu.memref_slice %arg15[%mul3A_2, %dma_wait3A_85] : memref<16384x16xf32, #tpu.memory_space<hbm>> -> memref<512x16xf32, #tpu.memory_space<hbm>>
    %dma_wait3A_87 = arith.constant 0 : i32
    %dma_wait3A_88 = tpu.memref_slice %arg15[%mul3A_2, %dma_wait3A_87] : memref<16384x16xf32, #tpu.memory_space<hbm>> -> memref<512x16xf32, #tpu.memory_space<hbm>>
    tpu.wait_dma2 semaphore(%arg34 : memref<!tpu.dma_semaphore, #tpu.memory_space<semaphore_mem>>) src(%arg25 : memref<512x16xf32, #tpu.memory_space<vmem>>) dst(%dma_wait3A_88 : memref<512x16xf32, #tpu.memory_space<hbm>>)
    %dma_wait3A_89 = arith.constant 0 : i32
    %dma_wait3A_90 = tpu.memref_slice %arg16[%mul3A_2, %dma_wait3A_89] : memref<16384x32xf32, #tpu.memory_space<hbm>> -> memref<512x32xf32, #tpu.memory_space<hbm>>
    %dma_wait3A_91 = arith.constant 0 : i32
    %dma_wait3A_92 = tpu.memref_slice %arg16[%mul3A_2, %dma_wait3A_91] : memref<16384x32xf32, #tpu.memory_space<hbm>> -> memref<512x32xf32, #tpu.memory_space<hbm>>
    tpu.wait_dma2 semaphore(%arg34 : memref<!tpu.dma_semaphore, #tpu.memory_space<semaphore_mem>>) src(%arg26 : memref<512x32xf32, #tpu.memory_space<vmem>>) dst(%dma_wait3A_92 : memref<512x32xf32, #tpu.memory_space<hbm>>)
    return
  }
}

module attributes {stable_mosaic.version = 14 : i64} {
  func.func @_mlp_body(%arg0: i32, %arg1: memref<16384x16xf32, #tpu.memory_space<vmem>>, %arg2: memref<16384x16xf32, #tpu.memory_space<vmem>>, %arg3: memref<16384x16xf32, #tpu.memory_space<vmem>>, %arg4: memref<16384x16xf32, #tpu.memory_space<vmem>>, %arg5: memref<16384x32xf32, #tpu.memory_space<vmem>>, %arg6: memref<1x16384xf32, #tpu.memory_space<vmem>>, %arg7: memref<60x100xf32, #tpu.memory_space<vmem>>, %arg8: memref<100xf32, #tpu.memory_space<vmem>>, %arg9: memref<100x10xf32, #tpu.memory_space<vmem>>, %arg10: memref<10xf32, #tpu.memory_space<vmem>>, %arg11: memref<10x1xf32, #tpu.memory_space<vmem>>, %arg12: memref<1xf32, #tpu.memory_space<vmem>>, %arg13: memref<1x16384xf32, #tpu.memory_space<vmem>>, %arg14: memref<96x104xf32, #tpu.memory_space<vmem>>, %arg15: memref<104x16xf32, #tpu.memory_space<vmem>>, %arg16: memref<16x1xf32, #tpu.memory_space<vmem>>) attributes {dimension_semantics = [#tpu.dimension_semantics<arbitrary>], iteration_bounds = array<i64: 1>, scalar_prefetch = 0 : i64, scratch_operands = 3 : i64, tpu.core_type = #tpu.core_type<tc>, window_params = [{transform_indices = @transform_0, window_bounds = array<i64: 16384, 16>}, {transform_indices = @transform_1, window_bounds = array<i64: 16384, 16>}, {transform_indices = @transform_2, window_bounds = array<i64: 16384, 16>}, {transform_indices = @transform_3, window_bounds = array<i64: 16384, 16>}, {transform_indices = @transform_4, window_bounds = array<i64: 16384, 32>}, {transform_indices = @transform_5, window_bounds = array<i64: 1, 16384>}, {pipeline_mode = #tpu.pipeline_mode<synchronous>, transform_indices = @transform_6, window_bounds = array<i64: 60, 100>}, {pipeline_mode = #tpu.pipeline_mode<synchronous>, transform_indices = @transform_7, window_bounds = array<i64: 100>}, {pipeline_mode = #tpu.pipeline_mode<synchronous>, transform_indices = @transform_8, window_bounds = array<i64: 100, 10>}, {pipeline_mode = #tpu.pipeline_mode<synchronous>, transform_indices = @transform_9, window_bounds = array<i64: 10>}, {pipeline_mode = #tpu.pipeline_mode<synchronous>, transform_indices = @transform_10, window_bounds = array<i64: 10, 1>}, {pipeline_mode = #tpu.pipeline_mode<synchronous>, transform_indices = @transform_11, window_bounds = array<i64: 1>}, {transform_indices = @transform_12, window_bounds = array<i64: 1, 16384>}]} {
    %eq3A = arith.constant 0 : i32
    %eq3A_0 = arith.cmpi eq, %arg0, %eq3A : i32
    %convert_element_type3A = arith.extui %eq3A_0 : i1 to i32
    %cond3A = arith.constant 0 : i32
    %cond3A_1 = arith.cmpi ne, %convert_element_type3A, %cond3A : i32
    scf.if %cond3A_1 {
      %broadcast_in_dim3A_53 = arith.constant 0.000000e+00 : f32
      %broadcast_in_dim3A_54 = vector.broadcast %broadcast_in_dim3A_53 : f32 to vector<96x104xf32>
      %swap3A_55 = arith.constant 0 : index
      %swap3A_56 = arith.constant 0 : index
      %swap3A_57 = vector.load %arg14[%swap3A_55, %swap3A_56] : memref<96x104xf32, #tpu.memory_space<vmem>>, vector<96x104xf32>
      tpu.vector_store %arg14[%swap3A_55, %swap3A_56], %broadcast_in_dim3A_54 {strides = array<i32>} : memref<96x104xf32, #tpu.memory_space<vmem>>, vector<96x104xf32>,
      %get3A_58 = arith.constant 1 : index
      %get3A_59 = arith.constant 0 : index
      %get3A_60 = vector.load %arg7[%get3A_58, %get3A_59] : memref<60x100xf32, #tpu.memory_space<vmem>>, vector<7x100xf32>
      %swap3A_61 = arith.constant 0 : index
      %swap3A_62 = arith.constant 0 : index
      %swap3A_63 = vector.load %arg14[%swap3A_61, %swap3A_62] : memref<96x104xf32, #tpu.memory_space<vmem>>, vector<7x100xf32>
      tpu.vector_store %arg14[%swap3A_61, %swap3A_62], %get3A_60 {strides = array<i32>} : memref<96x104xf32, #tpu.memory_space<vmem>>, vector<7x100xf32>,
      %get3A_64 = arith.constant 0 : index
      %get3A_65 = arith.constant 0 : index
      %get3A_66 = vector.load %arg7[%get3A_64, %get3A_65] : memref<60x100xf32, #tpu.memory_space<vmem>>, vector<1x100xf32>
      %swap3A_67 = arith.constant 7 : index
      %swap3A_68 = arith.constant 0 : index
      %swap3A_69 = vector.load %arg14[%swap3A_67, %swap3A_68] : memref<96x104xf32, #tpu.memory_space<vmem>>, vector<1x100xf32>
      tpu.vector_store %arg14[%swap3A_67, %swap3A_68], %get3A_66 {strides = array<i32>} : memref<96x104xf32, #tpu.memory_space<vmem>>, vector<1x100xf32>,
      %get3A_70 = arith.constant 0 : index
      %get3A_71 = vector.load %arg8[%get3A_70] : memref<100xf32, #tpu.memory_space<vmem>>, vector<100xf32>
      %broadcast_in_dim3A_72 = vector.shape_cast %get3A_71 : vector<100xf32> to vector<1x100xf32>
      %swap3A_73 = arith.constant 8 : index
      %swap3A_74 = arith.constant 0 : index
      %swap3A_75 = vector.load %arg14[%swap3A_73, %swap3A_74] : memref<96x104xf32, #tpu.memory_space<vmem>>, vector<1x100xf32>
      tpu.vector_store %arg14[%swap3A_73, %swap3A_74], %broadcast_in_dim3A_72 {strides = array<i32>} : memref<96x104xf32, #tpu.memory_space<vmem>>, vector<1x100xf32>,
      %broadcast_in_dim3A_76 = arith.constant 1.000000e+00 : f32
      %broadcast_in_dim3A_77 = vector.broadcast %broadcast_in_dim3A_76 : f32 to vector<1x1xf32>
      %swap3A_78 = arith.constant 8 : index
      %swap3A_79 = arith.constant 100 : index
      %swap3A_80 = vector.load %arg14[%swap3A_78, %swap3A_79] : memref<96x104xf32, #tpu.memory_space<vmem>>, vector<1x1xf32>
      tpu.vector_store %arg14[%swap3A_78, %swap3A_79], %broadcast_in_dim3A_77 {strides = array<i32>} : memref<96x104xf32, #tpu.memory_space<vmem>>, vector<1x1xf32>,
      %get3A_81 = arith.constant 8 : index
      %get3A_82 = arith.constant 0 : index
      %get3A_83 = vector.load %arg7[%get3A_81, %get3A_82] : memref<60x100xf32, #tpu.memory_space<vmem>>, vector<16x100xf32>
      %swap3A_84 = arith.constant 16 : index
      %swap3A_85 = arith.constant 0 : index
      %swap3A_86 = vector.load %arg14[%swap3A_84, %swap3A_85] : memref<96x104xf32, #tpu.memory_space<vmem>>, vector<16x100xf32>
      tpu.vector_store %arg14[%swap3A_84, %swap3A_85], %get3A_83 {strides = array<i32>} : memref<96x104xf32, #tpu.memory_space<vmem>>, vector<16x100xf32>,
      %get3A_87 = arith.constant 24 : index
      %get3A_88 = arith.constant 0 : index
      %get3A_89 = vector.load %arg7[%get3A_87, %get3A_88] : memref<60x100xf32, #tpu.memory_space<vmem>>, vector<4x100xf32>
      %swap3A_90 = arith.constant 32 : index
      %swap3A_91 = arith.constant 0 : index
      %swap3A_92 = vector.load %arg14[%swap3A_90, %swap3A_91] : memref<96x104xf32, #tpu.memory_space<vmem>>, vector<4x100xf32>
      tpu.vector_store %arg14[%swap3A_90, %swap3A_91], %get3A_89 {strides = array<i32>} : memref<96x104xf32, #tpu.memory_space<vmem>>, vector<4x100xf32>,
      %get3A_93 = arith.constant 28 : index
      %get3A_94 = arith.constant 0 : index
      %get3A_95 = vector.load %arg7[%get3A_93, %get3A_94] : memref<60x100xf32, #tpu.memory_space<vmem>>, vector<6x100xf32>
      %swap3A_96 = arith.constant 48 : index
      %swap3A_97 = arith.constant 0 : index
      %swap3A_98 = vector.load %arg14[%swap3A_96, %swap3A_97] : memref<96x104xf32, #tpu.memory_space<vmem>>, vector<6x100xf32>
      tpu.vector_store %arg14[%swap3A_96, %swap3A_97], %get3A_95 {strides = array<i32>} : memref<96x104xf32, #tpu.memory_space<vmem>>, vector<6x100xf32>,
      %get3A_99 = arith.constant 34 : index
      %get3A_100 = arith.constant 0 : index
      %get3A_101 = vector.load %arg7[%get3A_99, %get3A_100] : memref<60x100xf32, #tpu.memory_space<vmem>>, vector<26x100xf32>
      %swap3A_102 = arith.constant 64 : index
      %swap3A_103 = arith.constant 0 : index
      %swap3A_104 = vector.load %arg14[%swap3A_102, %swap3A_103] : memref<96x104xf32, #tpu.memory_space<vmem>>, vector<26x100xf32>
      tpu.vector_store %arg14[%swap3A_102, %swap3A_103], %get3A_101 {strides = array<i32>} : memref<96x104xf32, #tpu.memory_space<vmem>>, vector<26x100xf32>,
      %broadcast_in_dim3A_105 = arith.constant 0.000000e+00 : f32
      %broadcast_in_dim3A_106 = vector.broadcast %broadcast_in_dim3A_105 : f32 to vector<104x16xf32>
      %swap3A_107 = arith.constant 0 : index
      %swap3A_108 = arith.constant 0 : index
      %swap3A_109 = vector.load %arg15[%swap3A_107, %swap3A_108] : memref<104x16xf32, #tpu.memory_space<vmem>>, vector<104x16xf32>
      tpu.vector_store %arg15[%swap3A_107, %swap3A_108], %broadcast_in_dim3A_106 {strides = array<i32>} : memref<104x16xf32, #tpu.memory_space<vmem>>, vector<104x16xf32>,
      %get3A_110 = arith.constant 0 : index
      %get3A_111 = arith.constant 0 : index
      %get3A_112 = vector.load %arg9[%get3A_110, %get3A_111] : memref<100x10xf32, #tpu.memory_space<vmem>>, vector<100x10xf32>
      %swap3A_113 = arith.constant 0 : index
      %swap3A_114 = arith.constant 0 : index
      %swap3A_115 = vector.load %arg15[%swap3A_113, %swap3A_114] : memref<104x16xf32, #tpu.memory_space<vmem>>, vector<100x10xf32>
      tpu.vector_store %arg15[%swap3A_113, %swap3A_114], %get3A_112 {strides = array<i32>} : memref<104x16xf32, #tpu.memory_space<vmem>>, vector<100x10xf32>,
      %get3A_116 = arith.constant 0 : index
      %get3A_117 = vector.load %arg10[%get3A_116] : memref<10xf32, #tpu.memory_space<vmem>>, vector<10xf32>
      %broadcast_in_dim3A_118 = vector.shape_cast %get3A_117 : vector<10xf32> to vector<1x10xf32>
      %swap3A_119 = arith.constant 100 : index
      %swap3A_120 = arith.constant 0 : index
      %swap3A_121 = vector.load %arg15[%swap3A_119, %swap3A_120] : memref<104x16xf32, #tpu.memory_space<vmem>>, vector<1x10xf32>
      tpu.vector_store %arg15[%swap3A_119, %swap3A_120], %broadcast_in_dim3A_118 {strides = array<i32>} : memref<104x16xf32, #tpu.memory_space<vmem>>, vector<1x10xf32>,
      %broadcast_in_dim3A_122 = arith.constant 1.000000e+00 : f32
      %broadcast_in_dim3A_123 = vector.broadcast %broadcast_in_dim3A_122 : f32 to vector<1x1xf32>
      %swap3A_124 = arith.constant 100 : index
      %swap3A_125 = arith.constant 10 : index
      %swap3A_126 = vector.load %arg15[%swap3A_124, %swap3A_125] : memref<104x16xf32, #tpu.memory_space<vmem>>, vector<1x1xf32>
      tpu.vector_store %arg15[%swap3A_124, %swap3A_125], %broadcast_in_dim3A_123 {strides = array<i32>} : memref<104x16xf32, #tpu.memory_space<vmem>>, vector<1x1xf32>,
      %broadcast_in_dim3A_127 = arith.constant 0.000000e+00 : f32
      %broadcast_in_dim3A_128 = vector.broadcast %broadcast_in_dim3A_127 : f32 to vector<16x1xf32>
      %swap3A_129 = arith.constant 0 : index
      %swap3A_130 = arith.constant 0 : index
      %swap3A_131 = vector.load %arg16[%swap3A_129, %swap3A_130] : memref<16x1xf32, #tpu.memory_space<vmem>>, vector<16x1xf32>
      tpu.vector_store %arg16[%swap3A_129, %swap3A_130], %broadcast_in_dim3A_128 {strides = array<i32>} : memref<16x1xf32, #tpu.memory_space<vmem>>, vector<16x1xf32>,
      %get3A_132 = arith.constant 0 : index
      %get3A_133 = arith.constant 0 : index
      %get3A_134 = vector.load %arg11[%get3A_132, %get3A_133] : memref<10x1xf32, #tpu.memory_space<vmem>>, vector<10x1xf32>
      %swap3A_135 = arith.constant 0 : index
      %swap3A_136 = arith.constant 0 : index
      %swap3A_137 = vector.load %arg16[%swap3A_135, %swap3A_136] : memref<16x1xf32, #tpu.memory_space<vmem>>, vector<10x1xf32>
      tpu.vector_store %arg16[%swap3A_135, %swap3A_136], %get3A_134 {strides = array<i32>} : memref<16x1xf32, #tpu.memory_space<vmem>>, vector<10x1xf32>,
      %get3A_138 = arith.constant 0 : index
      %get3A_139 = vector.load %arg12[%get3A_138] : memref<1xf32, #tpu.memory_space<vmem>>, vector<1xf32>
      %broadcast_in_dim3A_140 = vector.shape_cast %get3A_139 : vector<1xf32> to vector<1x1xf32>
      %swap3A_141 = arith.constant 10 : index
      %swap3A_142 = arith.constant 0 : index
      %swap3A_143 = vector.load %arg16[%swap3A_141, %swap3A_142] : memref<16x1xf32, #tpu.memory_space<vmem>>, vector<1x1xf32>
      tpu.vector_store %arg16[%swap3A_141, %swap3A_142], %broadcast_in_dim3A_140 {strides = array<i32>} : memref<16x1xf32, #tpu.memory_space<vmem>>, vector<1x1xf32>,
    } else {
    }
    %iota3A = tpu.iota {dimensions = array<i32: 0>} : vector<16x16384xi32>
    %get3A = arith.constant 0 : index
    %get3A_2 = arith.constant 0 : index
    %get3A_3 = vector.load %arg1[%get3A, %get3A_2] : memref<16384x16xf32, #tpu.memory_space<vmem>>, vector<16384x16xf32>
    %transpose3A = tpu.transpose %get3A_3, [1, 0] : vector<16384x16xf32> -> vector<16x16384xf32>
    %eq3A_4 = arith.constant 7 : i32
    %eq3A_5 = vector.broadcast %eq3A_4 : i32 to vector<16x16384xi32>
    %eq3A_6 = arith.cmpi eq, %iota3A, %eq3A_5 : vector<16x16384xi32>
    %get3A_7 = arith.constant 0 : index
    %get3A_8 = arith.constant 0 : index
    %get3A_9 = vector.load %arg6[%get3A_7, %get3A_8] : memref<1x16384xf32, #tpu.memory_space<vmem>>, vector<1x16384xf32>
    %broadcast_in_dim3A = vector.shape_cast %get3A_9 : vector<1x16384xf32> to vector<1x16384xf32>
    %broadcast_in_dim3A_10 = vector.broadcast %broadcast_in_dim3A : vector<1x16384xf32> to vector<16x16384xf32>
    %select_n3A = arith.select %eq3A_6, %broadcast_in_dim3A_10, %transpose3A : vector<16x16384xi1>, vector<16x16384xf32>
    %eq3A_11 = arith.constant 8 : i32
    %eq3A_12 = vector.broadcast %eq3A_11 : i32 to vector<16x16384xi32>
    %eq3A_13 = arith.cmpi eq, %iota3A, %eq3A_12 : vector<16x16384xi32>
    %jit3A = arith.constant 1.000000e+00 : f32
    %broadcast_in_dim3A_14 = vector.broadcast %jit3A : f32 to vector<16x16384xf32>
    %select_n3A_15 = arith.select %eq3A_13, %broadcast_in_dim3A_14, %select_n3A : vector<16x16384xi1>, vector<16x16384xf32>
    %get3A_16 = arith.constant 0 : index
    %get3A_17 = arith.constant 0 : index
    %get3A_18 = vector.load %arg2[%get3A_16, %get3A_17] : memref<16384x16xf32, #tpu.memory_space<vmem>>, vector<16384x16xf32>
    %transpose3A_19 = tpu.transpose %get3A_18, [1, 0] : vector<16384x16xf32> -> vector<16x16384xf32>
    %get3A_20 = arith.constant 0 : index
    %get3A_21 = arith.constant 0 : index
    %get3A_22 = vector.load %arg3[%get3A_20, %get3A_21] : memref<16384x16xf32, #tpu.memory_space<vmem>>, vector<16384x16xf32>
    %transpose3A_23 = tpu.transpose %get3A_22, [1, 0] : vector<16384x16xf32> -> vector<16x16384xf32>
    %get3A_24 = arith.constant 0 : index
    %get3A_25 = arith.constant 0 : index
    %get3A_26 = vector.load %arg4[%get3A_24, %get3A_25] : memref<16384x16xf32, #tpu.memory_space<vmem>>, vector<16384x16xf32>
    %transpose3A_27 = tpu.transpose %get3A_26, [1, 0] : vector<16384x16xf32> -> vector<16x16384xf32>
    %get3A_28 = arith.constant 0 : index
    %get3A_29 = arith.constant 0 : index
    %get3A_30 = vector.load %arg5[%get3A_28, %get3A_29] : memref<16384x32xf32, #tpu.memory_space<vmem>>, vector<16384x32xf32>
    %transpose3A_31 = tpu.transpose %get3A_30, [1, 0] : vector<16384x32xf32> -> vector<32x16384xf32>
    %concatenate3A = tpu.concatenate %select_n3A_15, %transpose3A_19, %transpose3A_23, %transpose3A_27, %transpose3A_31 in 0 : vector<16x16384xf32>, vector<16x16384xf32>, vector<16x16384xf32>, vector<16x16384xf32>, vector<32x16384xf32> -> vector<96x16384xf32>
    %get3A_32 = arith.constant 0 : index
    %get3A_33 = arith.constant 0 : index
    %get3A_34 = vector.load %arg14[%get3A_32, %get3A_33] : memref<96x104xf32, #tpu.memory_space<vmem>>, vector<96x104xf32>
    %dot_general3A = arith.constant dense<0.000000e+00> : vector<104x16384xf32>
    %dot_general3A_35 = tpu.matmul %get3A_34, %concatenate3A, %dot_general3A {dimension_numbers = #tpu.dot_dimension_numbers<[0], [0], [1], [1], [0, 1, 1, 1], [], []>, transpose_lhs_hint = false} : vector<96x104xf32>, vector<96x16384xf32>, vector<104x16384xf32> -> vector<104x16384xf32>
    %max3A = arith.constant 0.000000e+00 : f32
    %max3A_36 = vector.broadcast %max3A : f32 to vector<104x16384xf32>
    %max3A_37 = arith.maximumf %dot_general3A_35, %max3A_36 : vector<104x16384xf32>
    %get3A_38 = arith.constant 0 : index
    %get3A_39 = arith.constant 0 : index
    %get3A_40 = vector.load %arg15[%get3A_38, %get3A_39] : memref<104x16xf32, #tpu.memory_space<vmem>>, vector<104x16xf32>
    %dot_general3A_41 = arith.constant dense<0.000000e+00> : vector<16x16384xf32>
    %dot_general3A_42 = tpu.matmul %get3A_40, %max3A_37, %dot_general3A_41 {dimension_numbers = #tpu.dot_dimension_numbers<[0], [0], [1], [1], [0, 1, 1, 1], [], []>, transpose_lhs_hint = false} : vector<104x16xf32>, vector<104x16384xf32>, vector<16x16384xf32> -> vector<16x16384xf32>
    %max3A_43 = arith.constant 0.000000e+00 : f32
    %max3A_44 = vector.broadcast %max3A_43 : f32 to vector<16x16384xf32>
    %max3A_45 = arith.maximumf %dot_general3A_42, %max3A_44 : vector<16x16384xf32>
    %get3A_46 = arith.constant 0 : index
    %get3A_47 = arith.constant 0 : index
    %get3A_48 = vector.load %arg16[%get3A_46, %get3A_47] : memref<16x1xf32, #tpu.memory_space<vmem>>, vector<16x1xf32>
    %dot_general3A_49 = arith.constant dense<0.000000e+00> : vector<1x16384xf32>
    %dot_general3A_50 = tpu.matmul %get3A_48, %max3A_45, %dot_general3A_49 {dimension_numbers = #tpu.dot_dimension_numbers<[0], [0], [1], [1], [0, 1, 1, 1], [], []>, transpose_lhs_hint = false} : vector<16x1xf32>, vector<16x16384xf32>, vector<1x16384xf32> -> vector<1x16384xf32>
    %swap3A = arith.constant 0 : index
    %swap3A_51 = arith.constant 0 : index
    %swap3A_52 = vector.load %arg13[%swap3A, %swap3A_51] : memref<1x16384xf32, #tpu.memory_space<vmem>>, vector<1x16384xf32>
    tpu.vector_store %arg13[%swap3A, %swap3A_51], %dot_general3A_50 {strides = array<i32>} : memref<1x16384xf32, #tpu.memory_space<vmem>>, vector<1x16384xf32>,
    return
  }
  func.func @transform_0(%arg0: i32) -> (i32, i32) {
    %c0_i32 = arith.constant 0 : i32
    %c0_i32_0 = arith.constant 0 : i32
    return %arg0, %c0_i32 : i32, i32
  }
  func.func @transform_1(%arg0: i32) -> (i32, i32) {
    %c0_i32 = arith.constant 0 : i32
    %c0_i32_0 = arith.constant 0 : i32
    return %arg0, %c0_i32 : i32, i32
  }
  func.func @transform_2(%arg0: i32) -> (i32, i32) {
    %c0_i32 = arith.constant 0 : i32
    %c0_i32_0 = arith.constant 0 : i32
    return %arg0, %c0_i32 : i32, i32
  }
  func.func @transform_3(%arg0: i32) -> (i32, i32) {
    %c0_i32 = arith.constant 0 : i32
    %c0_i32_0 = arith.constant 0 : i32
    return %arg0, %c0_i32 : i32, i32
  }
  func.func @transform_4(%arg0: i32) -> (i32, i32) {
    %c0_i32 = arith.constant 0 : i32
    %c0_i32_0 = arith.constant 0 : i32
    return %arg0, %c0_i32 : i32, i32
  }
  func.func @transform_5(%arg0: i32) -> (i32, i32) {
    %c0_i32 = arith.constant 0 : i32
    %c0_i32_0 = arith.constant 0 : i32
    return %c0_i32, %arg0 : i32, i32
  }
  func.func @transform_6(%arg0: i32) -> (i32, i32) {
    %c0_i32 = arith.constant 0 : i32
    %c0_i32_0 = arith.constant 0 : i32
    %c0_i32_1 = arith.constant 0 : i32
    return %c0_i32, %c0_i32_0 : i32, i32
  }
  func.func @transform_7(%arg0: i32) -> i32 {
    %c0_i32 = arith.constant 0 : i32
    %c0_i32_0 = arith.constant 0 : i32
    return %c0_i32 : i32
  }
  func.func @transform_8(%arg0: i32) -> (i32, i32) {
    %c0_i32 = arith.constant 0 : i32
    %c0_i32_0 = arith.constant 0 : i32
    %c0_i32_1 = arith.constant 0 : i32
    return %c0_i32, %c0_i32_0 : i32, i32
  }
  func.func @transform_9(%arg0: i32) -> i32 {
    %c0_i32 = arith.constant 0 : i32
    %c0_i32_0 = arith.constant 0 : i32
    return %c0_i32 : i32
  }
  func.func @transform_10(%arg0: i32) -> (i32, i32) {
    %c0_i32 = arith.constant 0 : i32
    %c0_i32_0 = arith.constant 0 : i32
    %c0_i32_1 = arith.constant 0 : i32
    return %c0_i32, %c0_i32_0 : i32, i32
  }
  func.func @transform_11(%arg0: i32) -> i32 {
    %c0_i32 = arith.constant 0 : i32
    %c0_i32_0 = arith.constant 0 : i32
    return %c0_i32 : i32
  }
  func.func @transform_12(%arg0: i32) -> (i32, i32) {
    %c0_i32 = arith.constant 0 : i32
    %c0_i32_0 = arith.constant 0 : i32
    return %c0_i32, %arg0 : i32, i32
  }
}

</mosaic_0001>

<sc_bundles>
// kernel: kernel.4.cloned.1.call-start
scs
__scs_entry_jumppad:
0x0: {  	(pc) =	sbr.rel $0x88, $3  }
0x1: {  	(tag) =	ssettag $0x0;
	lr =	simm.s32 $0x1  }
0x2: {  	[smem:$0x3F90] =	sst lr;
	_ =	strace $0xD0000000  }
0x3: {  	_ = 	snop  }
0x4: {  	_ = 	snop  }
0x5: {  	_ = 	snop  }
0x6: {  	_ = 	snop  }
0x7: {  	_ = 	snop  }
__scs_overlays_trampoline_lowered:
0x8: {  	[smem:$0x3F9F] =	sst s0  }
0x9: {  	[smem:$0x3FA0] =	sst s1  }
0xa: {  	[smem:$0x3FA1] =	sst s2  }
0xb: {  	[smem:$0x3FA2] =	sst s3  }
0xc: {  	[smem:$0x3FA3] =	sst s4  }
0xd: {  	[smem:$0x3FA4] =	sst s5  }
0xe: {  	[smem:$0x3FA5] =	sst s6  }
0xf: {  	[smem:$0x3FA6] =	sst s7  }
0x10: {  	[smem:$0x3FA7] =	sst s8  }
0x11: {  	[smem:$0x3FA8] =	sst s9;
	s0 =	simm.s32 @!p0 $0x0  }
0x12: {  	s1 =	sld [smem:$0x3F8E];
	s0 =	simm.s32 @p0 $0x1  }
0x13: {  	[smem:$0x3FA9] =	sst s0;
	s0 =	simm.s32 @!p1 $0x0  }
0x14: {  	s2 =	sld [smem:$0x3F8D];
	s0 =	simm.s32 @p1 $0x1  }
0x15: {  	[smem:$0x3FAA] =	sst s0;
	s0 =	simm.s32 @!p2 $0x0  }
0x16: {  	s3 =	sld [smem:$0x3FDB];
	s0 =	simm.s32 @p2 $0x1  }
0x17: {  	s4 =	simm.s32 $0x1BF5;
	[smem:$0x3FAC] =	sst s0  }
0x18: {  	s0 =	sld [smem:$0x3F8F];
	_ =	swait.ge [sflag:s4], $0x0  }
0x19: {  	s7 =	sld [smem:$0x3F90]  }
0x1a: {  	s8 =	sadd.s32 $0xFFFFE003, lr  }
0x1b: {  	s9 =	sadd.s32 $0xFFFFFEF7, lr;
	s5 =	simm.s32 $0xFFFFFFFF;
	p2 =	slt.u32 s8, $0xFFFFF086  }
0x1c: {  	p1 =	slt.u32 s9, $0xF7A;
	s5 =	simm.s32 @!p2 $0x0  }
0x1d: {  	s5 =	simm.s32 @p1 $0x1;
	p0 =	seq.s32 s7, s2  }
0x1e: {  	s7 =	smul.u32 @!p0 $0xF7A, s2;
	p2 =	seq.s32 @!p0 s5, $0x0  }
0x1f: {  	s9 =	smul.u32 $0xF7A, s1;
	s8 =	simm.s32 @!p0 $0x1BF5;
	p2 =	por !p2, p0  }
0x20: {  	[sflag:s8] =	ssyncset.s32 @!p0 $0xFFFFF086;
	s6 =	sadd.s32 @!p0 s3, s7;
	s7 =	simm.s32 @!p0 $0x108  }
0x21: {  	s3 =	sadd.s32 s3, s9;
	s6 =	sadd.s32 @!p0 $0x88, s6;
	s7 =	simm.s32 @p2 $0x1082  }
0x22: {  	[simem:s7], [sflag:s8] =	dma.local @!p0 [hbm:s6], $0xF7A  }
0x23: {  	s9 =	sor.u32 $0xD0000000, s2;
	s6 =	simm.s32 $0x108;
	_ =	swait.ge @!p0 [sflag:s8], $0x0  }
0x24: {  	s3 =	sadd.s32 $0x88, s3;
	s6 =	simm.s32 @!p1 $0x1082;
	[sflag:s4] =	ssyncset.s32 $0xFFFFF086  }
0x25: {  	[simem:s6], [sflag:s4] =	dma.local [hbm:s3], $0xF7A  }
0x26: {  	[smem:$0x3F90] =	sst s1;
	(tag) =	ssettag s2;
	_ =	strace s9  }
0x27: {  	s1 =	sld [smem:$0x3FA0]  }
0x28: {  	s2 =	sld [smem:$0x3FA1]  }
0x29: {  	s4 =	sld [smem:$0x3FA3]  }
0x2a: {  	p0 =	seq.s32 s5, $0x0;
	s5 =	sld [smem:$0x3FA4]  }
0x2b: {  	s6 =	sld [smem:$0x3FA5]  }
0x2c: {  	s7 =	sld [smem:$0x3FA6]  }
0x2d: {  	s3 =	simm.s32 $0x108;
	s8 =	sld [smem:$0x3FA7]  }
0x2e: {  	s3 =	simm.s32 @!p0 $0x1082;
	s9 =	sld [smem:$0x3FA8]  }
0x2f: {  	lr =	sadd.s32 s0, s3;
	s0 =	sld [smem:$0x3F9F]  }
0x30: {  	s3 =	sld [smem:$0x3FA2]  }
0x31: {  	[smem:$0x3FAB] =	sst s10  }
0x32: {  	s10 =	sld [smem:$0x3FA9];
	_ =	sdelay $0x3  }
0x33: {  	p0 =	seq.s32 s10, $0x1;
	s10 =	sld [smem:$0x3FAB];
	_ =	sdelay $0x3  }
0x34: {  	[smem:$0x3FAB] =	sst s10  }
0x35: {  	s10 =	sld [smem:$0x3FAA];
	_ =	sdelay $0x3  }
0x36: {  	p1 =	seq.s32 s10, $0x1;
	s10 =	sld [smem:$0x3FAB];
	_ =	sdelay $0x3  }
0x37: {  	[smem:$0x3FAB] =	sst s10  }
0x38: {  	s10 =	sld [smem:$0x3FAC]  }
0x39: {  	_ = 	snop;
	(pc) =	sbr.ind lr, $3  }
0x3a: {  	_ = 	snop  }
0x3b: {  	_ = 	snop  }
0x3c: {  	p2 =	seq.s32 s10, $0x1;
	s10 =	sld [smem:$0x3FAB]  }
0x3d: {  	_ =	shalt  }
0x3e: {  	_ =	shalt  }
0x3f: {  	_ =	shalt  }
0x40: {  	_ =	shalt  }
0x41: {  	_ =	shalt  }
0x42: {  	_ =	shalt  }
0x43: {  	_ =	shalt  }
0x44: {  	_ =	shalt  }
0x45: {  	_ =	shalt  }
0x46: {  	_ =	shalt  }
0x47: {  	_ =	shalt  }
0x48: {  	_ =	shalt  }
0x49: {  	_ =	shalt  }
0x4a: {  	_ =	shalt  }
0x4b: {  	_ =	shalt  }
0x4c: {  	_ =	shalt  }
0x4d: {  	_ =	shalt  }
0x4e: {  	_ =	shalt  }
0x4f: {  	_ =	shalt  }
0x50: {  	_ =	shalt  }
0x51: {  	_ =	shalt  }
0x52: {  	_ =	shalt  }
0x53: {  	_ =	shalt  }
0x54: {  	_ =	shalt  }
0x55: {  	_ =	shalt  }
0x56: {  	_ =	shalt  }
0x57: {  	_ =	shalt  }
0x58: {  	_ =	shalt  }
0x59: {  	_ =	shalt  }
0x5a: {  	_ =	shalt  }
0x5b: {  	_ =	shalt  }
0x5c: {  	_ =	shalt  }
0x5d: {  	_ =	shalt  }
0x5e: {  	_ =	shalt  }
0x5f: {  	_ =	shalt  }
0x60: {  	_ =	shalt  }
0x61: {  	_ =	shalt  }
0x62: {  	_ =	shalt  }
0x63: {  	_ =	shalt  }
0x64: {  	_ =	shalt  }
0x65: {  	_ =	shalt  }
0x66: {  	_ =	shalt  }
0x67: {  	_ =	shalt  }
0x68: {  	_ =	shalt  }
0x69: {  	_ =	shalt  }
0x6a: {  	_ =	shalt  }
0x6b: {  	_ =	shalt  }
0x6c: {  	_ =	shalt  }
0x6d: {  	_ =	shalt  }
0x6e: {  	_ =	shalt  }
0x6f: {  	_ =	shalt  }
0x70: {  	_ =	shalt  }
0x71: {  	_ =	shalt  }
0x72: {  	_ =	shalt  }
0x73: {  	_ =	shalt  }
0x74: {  	_ =	shalt  }
0x75: {  	_ =	shalt  }
0x76: {  	_ =	shalt  }
0x77: {  	_ =	shalt  }
0x78: {  	_ =	shalt  }
0x79: {  	_ =	shalt  }
0x7a: {  	_ =	shalt  }
0x7b: {  	_ =	shalt  }
0x7c: {  	_ =	shalt  }
0x7d: {  	_ =	shalt  }
0x7e: {  	_ =	shalt  }
0x7f: {  	_ =	shalt  }
0x80: {  	_ =	shalt  }
0x81: {  	_ =	shalt  }
0x82: {  	_ =	shalt  }
0x83: {  	_ =	shalt  }
0x84: {  	_ =	shalt  }
0x85: {  	_ =	shalt  }
0x86: {  	_ =	shalt  }
0x87: {  	_ =	shalt  }
.Lfunc_end0:
.L_simem_size_0:
called_computation_lowered:
.L_overlay_start_0:
0x88: {  	s2 =	sld [smem:$0x3FD9]  }
0x89: {  	s3 =	sld [smem:$0x3FFE];
	_ =	sdelay $0x1  }
0x8a: {  	s1 =	srdreg.scid  }
0x8b: {  	s0 =	sand.u32 $0x1, s1  }
0x8c: {  	s17 =	sshll.u32 s0, $0xA;
	s2 =	sadd.s32 s3, s2  }
0x8d: {  	s2 =	sadd.s32 s2, s17  }
0x8e: {  	[smem:$0x3FB7] =	sst s2  }
0x8f: {  	_ = 	snop  }
0x90: {  	s2 =	sld [smem:$0x3FC8]  }
0x91: {  	s18 =	sld [smem:$0x3FC7]  }
0x92: {  	s4 =	sld [smem:$0x3FC6]  }
0x93: {  	s5 =	sld [smem:$0x3FC5]  }
0x94: {  	s6 =	sld [smem:$0x3FC4]  }
0x95: {  	s7 =	sld [smem:$0x3FD0];
	(tm) =	ssettm $0x1  }
0x96: {  	s8 =	sld [smem:$0x3FFB];
	_ =	sdelay $0x3  }
0x97: {  	_ =	strace s8  }
0x98: {  	s8 =	sld [smem:$0x3FFC];
	_ =	sdelay $0x3  }
0x99: {  	_ =	strace s8  }
0x9a: {  	s8 =	sld [smem:$0x3FFD];
	_ =	sdelay $0x3  }
0x9b: {  	_ =	strace s8  }
0x9c: {  	_ =	strace $0x8FFFFFFF  }
0x9d: {  	s19 =	sld [smem:$0x3FDB];
	_ =	sdelay $0x1  }
0x9e: {  	s9 =	simm.s32 $_scs_section_size  }
0x9f: {  	s10 =	simm.s32 $_size__tile_overlayer_lowered;
	s11 =	simm.s32 $_tile_overlayer_lowered  }
0xa0: {  	s22 =	simm.s32 $0x1BFF;
	s21 =	sshll.u32 s11, $0x1;
	s8 =	sadd.s32 s9, s19  }
0xa1: {  	s12 =	simm.s32 $0x0;
	s20 =	sshll.u32 s10, $0x1;
	s10 =	sadd.s32 s21, s8  }
0xa2: {  	[timem:s12], [sflag:s22] =	dma.local [hbm:s10], s20  }
0xa3: {  	_ =	swait.ge [sflag:s22], s20  }
0xa4: {  	s9 =	ssub.s32 $0x0, s20;
	[sflag:s22] =	ssyncset.done $0x0  }
0xa5: {  	[sflag:s22] =	ssyncadd.s32 s9;
	_ =	sdelay $0x1  }
0xa6: {  	s23 =	simm.s32 $0x1B8B  }
0xa7: {  	_ =	swait.ge [sflag:s23], $0x1  }
0xa8: {  	[sflag:s23] =	ssyncset.done $0x0  }
0xa9: {  	s25 =	simm.s32 $0x1B8E;
	s24 =	sld [smem:$0x3FFE];
	[sflag:s23] =	ssyncadd.s32 $0xFFFFFFFF  }
0xaa: {  	s26 =	simm.s32 $execute0_lowered;
	[smem:$0x3FD2] =	sst s25  }
0xab: {  	s10 =	sshll.u32 s26, $0x1;
	_ =	strace $0x80000046;
	[dreg:$0x1] =	wrdreg $0xFFFFFFFF  }
0xac: {  	s28 =	simm.s32 $_size_execute0_lowered;
	s8 =	sadd.s32 s8, s10;
	[dreg:$0x0] =	wrdreg $0x0  }
0xad: {  	s10 =	sshll.u32 s28, $0x1;
	[dreg:$0x2] =	wrdreg s8  }
0xae: {  	[dreg:$0x3] =	wrdreg s10  }
0xaf: {  	[dreg:$0x4] =	wrdreg $0xC0  }
0xb0: {  	_ =	task [dreg:s12], $0x5FFFF  }
0xb1: {  	[dreg:$0x1] =	wrdreg $0xFFFFFFFF  }
0xb2: {  	[dreg:$0x0] =	wrdreg $0x60  }
0xb3: {  	[dreg:$0x2] =	wrdreg s24  }
0xb4: {  	[dreg:$0x3] =	wrdreg s7  }
0xb5: {  	[dreg:$0x4] =	wrdreg s2  }
0xb6: {  	[dreg:$0x5] =	wrdreg s18  }
0xb7: {  	[dreg:$0x6] =	wrdreg s4  }
0xb8: {  	[dreg:$0x7] =	wrdreg s5  }
0xb9: {  	[dreg:$0x8] =	wrdreg s6  }
0xba: {  	[dreg:$0x9] =	wrdreg $0xCA000  }
0xbb: {  	[dreg:$0xa] =	wrdreg $0xCA100  }
0xbc: {  	[dreg:$0xb] =	wrdreg $0xCA300  }
0xbd: {  	[dreg:$0xc] =	wrdreg $0xCA380  }
0xbe: {  	[dreg:$0xd] =	wrdreg $0xCA480  }
0xbf: {  	[dreg:$0xe] =	wrdreg $0x9  }
0xc0: {  	_ =	task.clear_ibuf [dreg:s12], $0xFFFFF;
	_ =	strace $0x90000046  }
0xc1: {  	s29 =	simm.s32 $0x9;
	_ =	strace $0x80000048  }
0xc2: {  	_ =	swait.ge [sflag:s29], $0x1  }
0xc3: {  	[sflag:s29] =	ssyncadd.s32 $0xFFFFFFFF  }
0xc4: {  	_ =	strace $0x90000048  }
0xc5: {  	_ =	sfence  }
0xc6: {  	s30 =	sld [smem:$0x0];
	_ =	sdelay $0x2  }
0xc7: {  	s31 =	sshll.u32 s1, $0xD;
	s1 =	sshrl.u32 s1, $0x2  }
0xc8: {  	s3 =	sand.u32 $0x4000, s31;
	s1 =	sadd.s32 s1, s30  }
0xc9: {  	s0 =	sor.u32 s3, s0;
	s1 =	sshll.u32 s1, $0x11  }
0xca: {  	s0 =	sor.u32 s1, s0  }
0xcb: {  	s0 =	sadd.s32 $0x8F2B, s0  }
0xcc: {  	[sflag:s0] =	ssyncadd.remote.s32 $0x1  }
0xcd: {  	_ =	sfence.sel $0xFFFF  }
0xce: {  	[dreg:$0x0] =	wrdreg $0xFFFFFFFF;
	(pc) =	sbr.abs _section_cstart, $3  }
0xcf: {  	[dreg:$0x1] =	wrdreg $0xFFFFFFFF  }
0xd0: {  	_ =	task.clear_ibuf [dreg:s12], $0x2FFFF;
	_ =	strace $0x9FFFFFFF  }
0xd1: {  	(tm) =	ssettm $0x7FFFFFFF  }
tec
execute0_lowered:
.L_overlay_start_1:
0x0: {  	(tag) =	ssettag $0x1  }
0x1: {  	s0 =	rddreg [dreg:$0x0]  }
0x2: {  	s1 =	rddreg [dreg:$0x1]  }
0x3: {  	s2 =	rddreg [dreg:$0x2]  }
0x4: {  	s7 =	rddreg [dreg:$0x3]  }
0x5: {  	s8 =	rddreg [dreg:$0x4]  }
0x6: {  	s9 =	rddreg [dreg:$0x5]  }
0x7: {  	s10 =	rddreg [dreg:$0x6]  }
0x8: {  	s3 =	rddreg [dreg:$0x7]  }
0x9: {  	s31 =	rddreg [dreg:$0x8]  }
0xa: {  	s30 =	rddreg [dreg:$0x9]  }
0xb: {  	s6 =	rddreg [dreg:$0xa]  }
0xc: {  	s5 =	rddreg [dreg:$0xb]  }
0xd: {  	s4 =	rddreg [dreg:$0xc]  }
0xe: {  	s12 =	srdreg.scid;
	s13 =	stileid.u32  }
0xf: {  	p1 =	por $0x0, $0x0;
	[dreg:$0x11] =	wrdreg s1;
	s1 =	simm.s32 $0x0  }
0x10: {  	s11 =	sadd.s32 $0x1C00, s0;
	s23 =	sadd.s32 $0x1800, s0;
	s24 =	sand.u32 $0x1, s12  }
0x11: {  	s25 =	sadd.s32 $0x1E00, s0;
	s14 =	sshll.u32 s13, $0xA;
	s17 =	sadd.s32 $0x1A00, s0  }
0x12: {  	p0 =	sne.s32 s13, $0x0;
	s13 =	simm.s32 $0xA00;
	[smem:$0x7FF] =	sst s1  }
0x13: {  	s15 =	sshll.u32 s24, $0x9;
	_ =	strace $0x80000047;
	[dreg:$0xd] =	wrdreg s11  }
0x14: {  	s21 =	ssub.s32 $0x2, s24;
	s29 =	sshrl.u32 @!p0 s30, $0x3;
	[dreg:$0xe] =	wrdreg s23  }
0x15: {  	s28 =	sshrl.u32 @!p0 s6, $0x3;
	[dreg:$0xf] =	wrdreg s25;
	s26 =	sor.u32 s15, s14  }
0x16: {  	[dreg:$0x10] =	wrdreg s17;
	s23 =	sshrl.u32 s21, $0x1;
	s14 =	simm.s32 $0x2A00  }
0x17: {  	s17 =	simm.s32 $0x8A00;
	s15 =	sshll.u32 s26, $0x1;
	s16 =	sshrl.u32 s26, $0x3  }
0x18: {  	s12 =	sshll.u32 s26, $0x2;
	s25 =	ssub.s32 s21, s23;
	s21 =	simm.s32 $0x600  }
0x19: {  	s23 =	simm.s32 $0x1;
	s18 =	sadd.s32 s15, s0;
	s2 =	sadd.s32 s2, s16  }
0x1a: {  	s19 =	sadd.s32 s7, s16;
	s0 =	sadd.s32 s12, s0;
	s20 =	sadd.s32 s8, s16  }
0x1b: {  	s22 =	sadd.s32 s9, s16;
	s24 =	sadd.s32 s10, s16;
	s26 =	smax.u32 s25, $0x1  }
0x1c: {  	s25 =	sshrl.u32 @!p0 s3, $0x3;
	s15 =	simm.s32 $0x4A00;
	[dreg:$0x12] =	wrdreg s2  }
0x1d: {  	[dreg:$0x13] =	wrdreg s19;
	s11 =	sadd.s32 $0x2000, s0;
	s0 =	sadd.s32 $0xFFFFFFFF, s26  }
0x1e: {  	s16 =	simm.s32 $0x6A00;
	[dreg:$0x14] =	wrdreg s20;
	p2 =	sne.s32 s0, $0x0  }
.Ltmp0:
0x1f: {  	s12 =	simm.s32 $0x3;
	[dreg:$0x15] =	wrdreg s22;
	(pc) =	sbr.rel @!p2 .LBB2_5-.Ltmp0, $4  }
0x20: {  	[dreg:$0x16] =	wrdreg s24;
	s7 =	sadd.s32 $0x2A000, s18;
	s8 =	sadd.s32 $0x22000, s18  }
0x21: {  	s9 =	sadd.s32 $0x1A000, s18;
	s10 =	sadd.s32 $0x12000, s18;
	s24 =	sshrl.u32 @!p0 s31, $0x3  }
0x22: {  	s19 =	simm.s32 $0x200;
	s20 =	simm.s32 $0x400;
	s22 =	simm.s32 $0x800  }
0x23: {  	s18 =	simm.s32 $0x2;
	s2 =	rddreg [dreg:$0xd];
	s26 =	sshrl.u32 @!p0 s5, $0x3  }
0x24: {  	s30 =	simm.s32 @!p0 $0x1C01  }
0x25: {  	[spmem:s25], [sflag:s30] =	dma.local @!p0 [hbm:s2], $0x1A  }
0x26: {  	s2 =	rddreg [dreg:$0xe]  }
0x27: {  	[spmem:s24], [sflag:s30] =	dma.local @!p0 [hbm:s2], $0x40  }
0x28: {  	s2 =	rddreg [dreg:$0xf]  }
0x29: {  	[spmem:s29], [sflag:s30] =	dma.local @!p0 [hbm:s2], $0x10  }
0x2a: {  	s2 =	rddreg [dreg:$0x10]  }
0x2b: {  	[spmem:s28], [sflag:s30] =	dma.local @!p0 [hbm:s2], $0x16  }
0x2c: {  	s6 =	smov.u32 s31;
	s31 =	simm.s32 @!p0 $0x1;
	s2 =	rddreg [dreg:$0x11]  }
0x2d: {  	[spmem:s26], [sflag:s30] =	dma.local @!p0 [hbm:s2], $0xCC  }
0x2e: {  	_ =	swait.ge @!p0 [sflag:s31], $0x1A  }
0x2f: {  	[sflag:s31] =	ssyncset.done @!p0 $0x0  }
0x30: {  	[sflag:s31] =	ssyncadd.s32 @!p0 $0xFFFFFFE6  }
0x31: {  	_ =	swait.ge @!p0 [sflag:s31], $0x40  }
0x32: {  	[sflag:s31] =	ssyncset.done @!p0 $0x0  }
0x33: {  	[sflag:s31] =	ssyncadd.s32 @!p0 $0xFFFFFFC0  }
0x34: {  	_ =	swait.ge @!p0 [sflag:s31], $0x10  }
0x35: {  	[sflag:s31] =	ssyncset.done @!p0 $0x0  }
0x36: {  	[sflag:s31] =	ssyncadd.s32 @!p0 $0xFFFFFFF0  }
0x37: {  	_ =	swait.ge @!p0 [sflag:s31], $0x16  }
0x38: {  	[sflag:s31] =	ssyncset.done @!p0 $0x0  }
0x39: {  	[sflag:s31] =	ssyncadd.s32 @!p0 $0xFFFFFFEA  }
0x3a: {  	_ =	swait.ge @!p0 [sflag:s31], $0xCC  }
0x3b: {  	[sflag:s31] =	ssyncset.done @!p0 $0x0  }
0x3c: {  	[sflag:s31] =	ssyncadd.s32 @!p0 $0xFFFFFF34  }
0x3d: {  	[bflag:$0x0] =	sbarrier.arrive $0xFFFF  }
0x3e: {  	s5 =	rddreg [dreg:$0x12]  }
0x3f: {  	[tilespmem:s1], [sflag:$0x1] =	stream.linear.gather [hbm4b:s5+s1], $0x200, $0x38;
	[tilespmem:$0xCAB0] =	vst v63  }
0x40: {  	s4 =	smov.u32 s3;
	s3 =	smov.u32 s0;
	s0 =	rddreg [dreg:$0x13]  }
0x41: {  	[tilespmem:s19], [sflag:$0x1] =	stream.linear.gather [hbm4b:s0+s1], $0x200, $0x38;
	[tilespmem:$0xCAB0] =	vst v63  }
0x42: {  	s5 =	rddreg [dreg:$0x14]  }
0x43: {  	[tilespmem:s20], [sflag:$0x1] =	stream.linear.gather [hbm4b:s5+s1], $0x200, $0x38;
	[tilespmem:$0xCAB0] =	vst v63  }
0x44: {  	s0 =	rddreg [dreg:$0x15]  }
0x45: {  	[tilespmem:s21], [sflag:$0x1] =	stream.linear.gather [hbm4b:s0+s1], $0x200, $0x38;
	[tilespmem:$0xCAB0] =	vst v63  }
0x46: {  	s5 =	rddreg [dreg:$0x16]  }
0x47: {  	[tilespmem:s22], [sflag:$0x1] =	stream.linear.gather [hbm4b:s5+s1], $0x200, $0x38;
	[tilespmem:$0xCAB0] =	vst v63  }
0x48: {  	_ =	swait.ge [sflag:s23], $0x200  }
0x49: {  	[sflag:s23] =	ssyncset.done $0x0  }
0x4a: {  	[sflag:s23] =	ssyncadd.s32 $0xFFFFFE00  }
0x4b: {  	_ =	swait.ge [sflag:s23], $0x200  }
0x4c: {  	[sflag:s23] =	ssyncset.done $0x0  }
0x4d: {  	[sflag:s23] =	ssyncadd.s32 $0xFFFFFE00  }
0x4e: {  	_ =	swait.ge [sflag:s23], $0x200  }
0x4f: {  	[sflag:s23] =	ssyncset.done $0x0  }
0x50: {  	[sflag:s23] =	ssyncadd.s32 $0xFFFFFE00  }
0x51: {  	_ =	swait.ge [sflag:s23], $0x200  }
0x52: {  	[sflag:s23] =	ssyncset.done $0x0  }
0x53: {  	[sflag:s23] =	ssyncadd.s32 $0xFFFFFE00  }
0x54: {  	_ =	swait.ge [sflag:s23], $0x200  }
0x55: {  	[sflag:s23] =	ssyncset.done $0x0  }
0x56: {  	[sflag:s23] =	ssyncadd.s32 $0xFFFFFE00  }
0x57: {  	[tilespmem:s13], [sflag:$0x2] =	stream.indirect.gather [spmem:s4], $0x10, s1, s19, $0xb8;
	[tilespmem:$0xCAB0] =	vst v63  }
0x58: {  	_ = 	snop  }
0x59: {  	[tilespmem:s14], [sflag:$0x2] =	stream.indirect.gather [spmem:s6], $0x10, s19, s19, $0xb8;
	[tilespmem:$0xCAB0] =	vst v63  }
0x5a: {  	s5 =	rddreg [dreg:$0x9]  }
0x5b: {  	[tilespmem:s15], [sflag:$0x2] =	stream.indirect.gather [spmem:s5], $0x10, s20, s19, $0xb8;
	[tilespmem:$0xCAB0] =	vst v63  }
0x5c: {  	s4 =	smov.u32 s6;
	s2 =	rddreg [dreg:$0xa]  }
0x5d: {  	[tilespmem:s16], [sflag:$0x2] =	stream.indirect.gather [spmem:s2], $0x10, s21, s19, $0xb8;
	[tilespmem:$0xCAB0] =	vst v63  }
0x5e: {  	s6 =	smov.u32 s5;
	s5 =	smov.u32 s2;
	s2 =	rddreg [dreg:$0xb]  }
0x5f: {  	[tilespmem:s17], [sflag:$0x2] =	stream.indirect.gather [spmem:s2], $0x20, s22, s19, $0xb8;
	[tilespmem:$0xCAB0] =	vst v63  }
0x60: {  	_ =	swait.ge [sflag:s18], $0x2000  }
0x61: {  	[sflag:s18] =	ssyncset.done $0x0  }
0x62: {  	[sflag:s18] =	ssyncadd.s32 $0xFFFFE000  }
0x63: {  	_ =	swait.ge [sflag:s18], $0x2000  }
0x64: {  	[sflag:s18] =	ssyncset.done $0x0  }
0x65: {  	[sflag:s18] =	ssyncadd.s32 $0xFFFFE000  }
0x66: {  	_ =	swait.ge [sflag:s18], $0x2000  }
0x67: {  	[sflag:s18] =	ssyncset.done $0x0  }
0x68: {  	[sflag:s18] =	ssyncadd.s32 $0xFFFFE000  }
0x69: {  	_ =	swait.ge [sflag:s18], $0x2000  }
0x6a: {  	[sflag:s18] =	ssyncset.done $0x0  }
0x6b: {  	[sflag:s18] =	ssyncadd.s32 $0xFFFFE000  }
0x6c: {  	_ =	swait.ge [sflag:s18], $0x4000  }
0x6d: {  	[sflag:s18] =	ssyncset.done $0x0  }
0x6e: {  	[sflag:s18] =	ssyncadd.s32 $0xFFFFC000  }
0x6f: {  	[hbm4b:s7+s1] =	stream.linear.scatter [tilespmem:s13], [sflag:$0x3], $0x2000, $0x38;
	[tilespmem:$0xCAB0] =	vst v63  }
0x70: {  	_ = 	snop  }
0x71: {  	[hbm4b:s8+s1] =	stream.linear.scatter [tilespmem:s14], [sflag:$0x3], $0x2000, $0x38;
	[tilespmem:$0xCAB0] =	vst v63  }
0x72: {  	_ = 	snop  }
0x73: {  	[hbm4b:s9+s1] =	stream.linear.scatter [tilespmem:s15], [sflag:$0x3], $0x2000, $0x38;
	[tilespmem:$0xCAB0] =	vst v63  }
0x74: {  	_ = 	snop  }
0x75: {  	[hbm4b:s10+s1] =	stream.linear.scatter [tilespmem:s16], [sflag:$0x3], $0x2000, $0x38;
	[tilespmem:$0xCAB0] =	vst v63  }
0x76: {  	_ = 	snop  }
0x77: {  	[hbm4b:s11+s1] =	stream.linear.scatter [tilespmem:s17], [sflag:$0x3], $0x4000, $0x38;
	[tilespmem:$0xCAB0] =	vst v63  }
0x78: {  	_ =	swait.ge [sflag:s12], $0x2000  }
0x79: {  	[sflag:s12] =	ssyncset.done $0x0  }
0x7a: {  	[sflag:s12] =	ssyncadd.s32 $0xFFFFE000  }
0x7b: {  	_ =	swait.ge [sflag:s12], $0x2000  }
0x7c: {  	[sflag:s12] =	ssyncset.done $0x0  }
0x7d: {  	[sflag:s12] =	ssyncadd.s32 $0xFFFFE000  }
0x7e: {  	_ =	swait.ge [sflag:s12], $0x2000  }
0x7f: {  	s0 =	sadd.s32 $0xFFFFFFFF, s3;
	[sflag:s12] =	ssyncset.done $0x0  }
0x80: {  	p2 =	sne.s32 s0, $0x0;
	[sflag:s12] =	ssyncadd.s32 $0xFFFFE000  }
.Ltmp1:
0x81: {  	_ =	swait.ge [sflag:s12], $0x2000;
	(pc) =	sbr.rel @!p2 .LBB2_2-.Ltmp1, $4  }
0x82: {  	[sflag:s12] =	ssyncset.done $0x0  }
0x83: {  	[sflag:s12] =	ssyncadd.s32 $0xFFFFE000  }
0x84: {  	_ =	swait.ge [sflag:s12], $0x4000  }
0x85: {  	p1 =	por $0x1, $0x1;
	s2 =	rddreg [dreg:$0xd];
	[sflag:s12] =	ssyncset.done $0x0  }
.LBB2_3:
0x86: {  	[sflag:s12] =	ssyncadd.s32 $0xFFFFC000  }
0x87: {  	[spmem:s25], [sflag:s30] =	dma.local @!p0 [hbm:s2], $0x1A  }
0x88: {  	s2 =	rddreg [dreg:$0xe]  }
0x89: {  	[spmem:s24], [sflag:s30] =	dma.local @!p0 [hbm:s2], $0x40  }
0x8a: {  	s2 =	rddreg [dreg:$0xf]  }
0x8b: {  	[spmem:s29], [sflag:s30] =	dma.local @!p0 [hbm:s2], $0x10  }
0x8c: {  	s2 =	rddreg [dreg:$0x10]  }
0x8d: {  	[spmem:s28], [sflag:s30] =	dma.local @!p0 [hbm:s2], $0x16  }
0x8e: {  	s2 =	rddreg [dreg:$0x11]  }
0x8f: {  	[spmem:s26], [sflag:s30] =	dma.local @!p0 [hbm:s2], $0xCC  }
0x90: {  	_ =	swait.ge @!p0 [sflag:s31], $0x1A  }
0x91: {  	[sflag:s31] =	ssyncset.done @!p0 $0x0  }
0x92: {  	[sflag:s31] =	ssyncadd.s32 @!p0 $0xFFFFFFE6  }
0x93: {  	_ =	swait.ge @!p0 [sflag:s31], $0x40  }
0x94: {  	[sflag:s31] =	ssyncset.done @!p0 $0x0  }
0x95: {  	[sflag:s31] =	ssyncadd.s32 @!p0 $0xFFFFFFC0  }
0x96: {  	_ =	swait.ge @!p0 [sflag:s31], $0x10  }
0x97: {  	[sflag:s31] =	ssyncset.done @!p0 $0x0  }
0x98: {  	[sflag:s31] =	ssyncadd.s32 @!p0 $0xFFFFFFF0  }
0x99: {  	_ =	swait.ge @!p0 [sflag:s31], $0x16  }
0x9a: {  	[sflag:s31] =	ssyncset.done @!p0 $0x0  }
0x9b: {  	[sflag:s31] =	ssyncadd.s32 @!p0 $0xFFFFFFEA  }
0x9c: {  	_ =	swait.ge @!p0 [sflag:s31], $0xCC  }
0x9d: {  	[sflag:s31] =	ssyncset.done @!p0 $0x0  }
0x9e: {  	[sflag:s31] =	ssyncadd.s32 @!p0 $0xFFFFFF34  }
0x9f: {  	[bflag:$0x0] =	sbarrier.arrive $0xFFFF  }
0xa0: {  	s2 =	rddreg [dreg:$0x12]  }
0xa1: {  	[tilespmem:s1], [sflag:$0x1] =	stream.linear.gather [hbm4b:s2+s1], $0x200, $0x38;
	[tilespmem:$0xCAB0] =	vst v63  }
0xa2: {  	s3 =	rddreg [dreg:$0x13]  }
0xa3: {  	[tilespmem:s19], [sflag:$0x1] =	stream.linear.gather [hbm4b:s3+s1], $0x200, $0x38;
	[tilespmem:$0xCAB0] =	vst v63  }
0xa4: {  	s2 =	rddreg [dreg:$0x14]  }
0xa5: {  	[tilespmem:s20], [sflag:$0x1] =	stream.linear.gather [hbm4b:s2+s1], $0x200, $0x38;
	[tilespmem:$0xCAB0] =	vst v63  }
0xa6: {  	s3 =	rddreg [dreg:$0x15]  }
0xa7: {  	[tilespmem:s21], [sflag:$0x1] =	stream.linear.gather [hbm4b:s3+s1], $0x200, $0x38;
	[tilespmem:$0xCAB0] =	vst v63  }
0xa8: {  	s2 =	rddreg [dreg:$0x16]  }
0xa9: {  	[tilespmem:s22], [sflag:$0x1] =	stream.linear.gather [hbm4b:s2+s1], $0x200, $0x38;
	[tilespmem:$0xCAB0] =	vst v63  }
0xaa: {  	_ =	swait.ge [sflag:s23], $0x200  }
0xab: {  	[sflag:s23] =	ssyncset.done $0x0  }
0xac: {  	[sflag:s23] =	ssyncadd.s32 $0xFFFFFE00  }
0xad: {  	_ =	swait.ge [sflag:s23], $0x200  }
0xae: {  	[sflag:s23] =	ssyncset.done $0x0  }
0xaf: {  	[sflag:s23] =	ssyncadd.s32 $0xFFFFFE00  }
0xb0: {  	_ =	swait.ge [sflag:s23], $0x200  }
0xb1: {  	[sflag:s23] =	ssyncset.done $0x0  }
0xb2: {  	[sflag:s23] =	ssyncadd.s32 $0xFFFFFE00  }
0xb3: {  	_ =	swait.ge [sflag:s23], $0x200  }
0xb4: {  	[sflag:s23] =	ssyncset.done $0x0  }
0xb5: {  	[sflag:s23] =	ssyncadd.s32 $0xFFFFFE00  }
0xb6: {  	_ =	swait.ge [sflag:s23], $0x200  }
0xb7: {  	[sflag:s23] =	ssyncset.done $0x0  }
0xb8: {  	[sflag:s23] =	ssyncadd.s32 $0xFFFFFE00  }
0xb9: {  	s3 =	rddreg [dreg:$0x7]  }
0xba: {  	[tilespmem:s13], [sflag:$0x2] =	stream.indirect.gather [spmem:s3], $0x10, s1, s19, $0xb8;
	[tilespmem:$0xCAB0] =	vst v63  }
0xbb: {  	_ = 	snop  }
0xbc: {  	[tilespmem:s14], [sflag:$0x2] =	stream.indirect.gather [spmem:s4], $0x10, s19, s19, $0xb8;
	[tilespmem:$0xCAB0] =	vst v63  }
0xbd: {  	_ = 	snop  }
0xbe: {  	[tilespmem:s15], [sflag:$0x2] =	stream.indirect.gather [spmem:s6], $0x10, s20, s19, $0xb8;
	[tilespmem:$0xCAB0] =	vst v63  }
0xbf: {  	_ = 	snop  }
0xc0: {  	[tilespmem:s16], [sflag:$0x2] =	stream.indirect.gather [spmem:s5], $0x10, s21, s19, $0xb8;
	[tilespmem:$0xCAB0] =	vst v63  }
0xc1: {  	s3 =	rddreg [dreg:$0xb]  }
0xc2: {  	[tilespmem:s17], [sflag:$0x2] =	stream.indirect.gather [spmem:s3], $0x20, s22, s19, $0xb8;
	[tilespmem:$0xCAB0] =	vst v63  }
0xc3: {  	_ =	swait.ge [sflag:s18], $0x2000  }
0xc4: {  	[sflag:s18] =	ssyncset.done $0x0  }
0xc5: {  	[sflag:s18] =	ssyncadd.s32 $0xFFFFE000  }
0xc6: {  	_ =	swait.ge [sflag:s18], $0x2000  }
0xc7: {  	[sflag:s18] =	ssyncset.done $0x0  }
0xc8: {  	[sflag:s18] =	ssyncadd.s32 $0xFFFFE000  }
0xc9: {  	_ =	swait.ge [sflag:s18], $0x2000  }
0xca: {  	[sflag:s18] =	ssyncset.done $0x0  }
0xcb: {  	[sflag:s18] =	ssyncadd.s32 $0xFFFFE000  }
0xcc: {  	_ =	swait.ge [sflag:s18], $0x2000  }
0xcd: {  	[sflag:s18] =	ssyncset.done $0x0  }
0xce: {  	[sflag:s18] =	ssyncadd.s32 $0xFFFFE000  }
0xcf: {  	_ =	swait.ge [sflag:s18], $0x4000  }
0xd0: {  	[sflag:s18] =	ssyncset.done $0x0  }
0xd1: {  	[sflag:s18] =	ssyncadd.s32 $0xFFFFC000  }
0xd2: {  	[hbm4b:s7+s1] =	stream.linear.scatter [tilespmem:s13], [sflag:$0x3], $0x2000, $0x38;
	[tilespmem:$0xCAB0] =	vst v63  }
0xd3: {  	_ = 	snop  }
0xd4: {  	[hbm4b:s8+s1] =	stream.linear.scatter [tilespmem:s14], [sflag:$0x3], $0x2000, $0x38;
	[tilespmem:$0xCAB0] =	vst v63  }
0xd5: {  	_ = 	snop  }
0xd6: {  	[hbm4b:s9+s1] =	stream.linear.scatter [tilespmem:s15], [sflag:$0x3], $0x2000, $0x38;
	[tilespmem:$0xCAB0] =	vst v63  }
0xd7: {  	_ = 	snop  }
0xd8: {  	[hbm4b:s10+s1] =	stream.linear.scatter [tilespmem:s16], [sflag:$0x3], $0x2000, $0x38;
	[tilespmem:$0xCAB0] =	vst v63  }
0xd9: {  	_ = 	snop  }
0xda: {  	[hbm4b:s11+s1] =	stream.linear.scatter [tilespmem:s17], [sflag:$0x3], $0x4000, $0x38;
	[tilespmem:$0xCAB0] =	vst v63  }
0xdb: {  	_ =	swait.ge [sflag:s12], $0x2000  }
0xdc: {  	[sflag:s12] =	ssyncset.done $0x0  }
0xdd: {  	[sflag:s12] =	ssyncadd.s32 $0xFFFFE000  }
0xde: {  	_ =	swait.ge [sflag:s12], $0x2000  }
0xdf: {  	[sflag:s12] =	ssyncset.done $0x0  }
0xe0: {  	[sflag:s12] =	ssyncadd.s32 $0xFFFFE000  }
0xe1: {  	_ =	swait.ge [sflag:s12], $0x2000  }
0xe2: {  	s0 =	sadd.s32 $0xFFFFFFFF, s0;
	[sflag:s12] =	ssyncset.done $0x0  }
0xe3: {  	p2 =	sne.s32 s0, $0x0;
	[sflag:s12] =	ssyncadd.s32 $0xFFFFE000  }
.Ltmp2:
0xe4: {  	_ =	swait.ge [sflag:s12], $0x2000;
	(pc) =	sbr.rel @p2 .LBB2_3-.Ltmp2, $4  }
0xe5: {  	[sflag:s12] =	ssyncset.done $0x0  }
0xe6: {  	[sflag:s12] =	ssyncadd.s32 $0xFFFFE000  }
0xe7: {  	_ =	swait.ge [sflag:s12], $0x4000  }
0xe8: {  	s2 =	rddreg [dreg:$0xd];
	[sflag:s12] =	ssyncset.done $0x0  }
0xe9: {  	s0 =	rddreg [dreg:$0xc]  }
0xea: {  	s3 =	rddreg [dreg:$0x7];
	s31 =	smov.u32 s4;
	s30 =	smov.u32 s6  }
0xeb: {  	s6 =	smov.u32 s5;
	s5 =	rddreg [dreg:$0xb];
	s4 =	smov.u32 s0  }
.LBB2_5:
0xec: {  	[sflag:s12] =	ssyncadd.s32 @p1 $0xFFFFC000;
	s0 =	simm.s32 @!p0 $0x1C01  }
0xed: {  	[spmem:s25], [sflag:s0] =	dma.local @!p0 [hbm:s2], $0x1A  }
0xee: {  	s2 =	rddreg [dreg:$0xe]  }
0xef: {  	[spmem:s24], [sflag:s0] =	dma.local @!p0 [hbm:s2], $0x40  }
0xf0: {  	s2 =	rddreg [dreg:$0xf]  }
0xf1: {  	[spmem:s29], [sflag:s0] =	dma.local @!p0 [hbm:s2], $0x10  }
0xf2: {  	s2 =	rddreg [dreg:$0x10]  }
0xf3: {  	[spmem:s28], [sflag:s0] =	dma.local @!p0 [hbm:s2], $0x16  }
0xf4: {  	s2 =	rddreg [dreg:$0x11]  }
0xf5: {  	[spmem:s26], [sflag:s0] =	dma.local @!p0 [hbm:s2], $0xCC  }
0xf6: {  	s0 =	simm.s32 @!p0 $0x1  }
0xf7: {  	_ =	swait.ge @!p0 [sflag:s0], $0x1A  }
0xf8: {  	[sflag:s0] =	ssyncset.done @!p0 $0x0  }
0xf9: {  	[sflag:s0] =	ssyncadd.s32 @!p0 $0xFFFFFFE6  }
0xfa: {  	_ =	swait.ge @!p0 [sflag:s0], $0x40  }
0xfb: {  	[sflag:s0] =	ssyncset.done @!p0 $0x0  }
0xfc: {  	[sflag:s0] =	ssyncadd.s32 @!p0 $0xFFFFFFC0  }
0xfd: {  	_ =	swait.ge @!p0 [sflag:s0], $0x10  }
0xfe: {  	[sflag:s0] =	ssyncset.done @!p0 $0x0  }
0xff: {  	[sflag:s0] =	ssyncadd.s32 @!p0 $0xFFFFFFF0  }
0x100: {  	_ =	swait.ge @!p0 [sflag:s0], $0x16  }
0x101: {  	[sflag:s0] =	ssyncset.done @!p0 $0x0  }
0x102: {  	[sflag:s0] =	ssyncadd.s32 @!p0 $0xFFFFFFEA  }
0x103: {  	_ =	swait.ge @!p0 [sflag:s0], $0xCC  }
0x104: {  	[sflag:s0] =	ssyncset.done @!p0 $0x0  }
0x105: {  	[sflag:s0] =	ssyncadd.s32 @!p0 $0xFFFFFF34  }
0x106: {  	[bflag:$0x0] =	sbarrier.arrive $0xFFFF  }
0x107: {  	s24 =	rddreg [dreg:$0x12]  }
0x108: {  	[tilespmem:s1], [sflag:$0x1] =	stream.linear.gather [hbm4b:s24+s1], $0x200, $0x38;
	[tilespmem:$0xCAB0] =	vst v63  }
0x109: {  	s25 =	rddreg [dreg:$0x13]  }
0x10a: {  	[tilespmem:s19], [sflag:$0x1] =	stream.linear.gather [hbm4b:s25+s1], $0x200, $0x38;
	[tilespmem:$0xCAB0] =	vst v63  }
0x10b: {  	s26 =	rddreg [dreg:$0x14]  }
0x10c: {  	[tilespmem:s20], [sflag:$0x1] =	stream.linear.gather [hbm4b:s26+s1], $0x200, $0x38;
	[tilespmem:$0xCAB0] =	vst v63  }
0x10d: {  	s28 =	rddreg [dreg:$0x15]  }
0x10e: {  	[tilespmem:s21], [sflag:$0x1] =	stream.linear.gather [hbm4b:s28+s1], $0x200, $0x38;
	[tilespmem:$0xCAB0] =	vst v63  }
0x10f: {  	s29 =	rddreg [dreg:$0x16]  }
0x110: {  	[tilespmem:s22], [sflag:$0x1] =	stream.linear.gather [hbm4b:s29+s1], $0x200, $0x38;
	[tilespmem:$0xCAB0] =	vst v63  }
0x111: {  	_ =	swait.ge [sflag:s23], $0x200  }
0x112: {  	[sflag:s23] =	ssyncset.done $0x0  }
0x113: {  	[sflag:s23] =	ssyncadd.s32 $0xFFFFFE00  }
0x114: {  	_ =	swait.ge [sflag:s23], $0x200  }
0x115: {  	[sflag:s23] =	ssyncset.done $0x0  }
0x116: {  	[sflag:s23] =	ssyncadd.s32 $0xFFFFFE00  }
0x117: {  	_ =	swait.ge [sflag:s23], $0x200  }
0x118: {  	[sflag:s23] =	ssyncset.done $0x0  }
0x119: {  	[sflag:s23] =	ssyncadd.s32 $0xFFFFFE00  }
0x11a: {  	_ =	swait.ge [sflag:s23], $0x200  }
0x11b: {  	[sflag:s23] =	ssyncset.done $0x0  }
0x11c: {  	[sflag:s23] =	ssyncadd.s32 $0xFFFFFE00  }
0x11d: {  	_ =	swait.ge [sflag:s23], $0x200  }
0x11e: {  	[sflag:s23] =	ssyncset.done $0x0  }
0x11f: {  	[sflag:s23] =	ssyncadd.s32 $0xFFFFFE00  }
0x120: {  	[tilespmem:s13], [sflag:$0x2] =	stream.indirect.gather [spmem:s3], $0x10, s1, s19, $0xb8;
	[tilespmem:$0xCAB0] =	vst v63  }
0x121: {  	_ = 	snop  }
0x122: {  	[tilespmem:s14], [sflag:$0x2] =	stream.indirect.gather [spmem:s31], $0x10, s19, s19, $0xb8;
	[tilespmem:$0xCAB0] =	vst v63  }
0x123: {  	_ = 	snop  }
0x124: {  	[tilespmem:s15], [sflag:$0x2] =	stream.indirect.gather [spmem:s30], $0x10, s20, s19, $0xb8;
	[tilespmem:$0xCAB0] =	vst v63  }
0x125: {  	_ = 	snop  }
0x126: {  	[tilespmem:s16], [sflag:$0x2] =	stream.indirect.gather [spmem:s6], $0x10, s21, s19, $0xb8;
	[tilespmem:$0xCAB0] =	vst v63  }
0x127: {  	_ = 	snop  }
0x128: {  	[tilespmem:s17], [sflag:$0x2] =	stream.indirect.gather [spmem:s5], $0x20, s22, s19, $0xb8;
	[tilespmem:$0xCAB0] =	vst v63  }
0x129: {  	_ =	swait.ge [sflag:s18], $0x2000  }
0x12a: {  	[sflag:s18] =	ssyncset.done $0x0  }
0x12b: {  	[sflag:s18] =	ssyncadd.s32 $0xFFFFE000  }
0x12c: {  	_ =	swait.ge [sflag:s18], $0x2000  }
0x12d: {  	[sflag:s18] =	ssyncset.done $0x0  }
0x12e: {  	[sflag:s18] =	ssyncadd.s32 $0xFFFFE000  }
0x12f: {  	_ =	swait.ge [sflag:s18], $0x2000  }
0x130: {  	[sflag:s18] =	ssyncset.done $0x0  }
0x131: {  	[sflag:s18] =	ssyncadd.s32 $0xFFFFE000  }
0x132: {  	_ =	swait.ge [sflag:s18], $0x2000  }
0x133: {  	[sflag:s18] =	ssyncset.done $0x0  }
0x134: {  	[sflag:s18] =	ssyncadd.s32 $0xFFFFE000  }
0x135: {  	_ =	swait.ge [sflag:s18], $0x4000  }
0x136: {  	[sflag:s18] =	ssyncset.done $0x0  }
0x137: {  	[sflag:s18] =	ssyncadd.s32 $0xFFFFC000  }
0x138: {  	[hbm4b:s7+s1] =	stream.linear.scatter [tilespmem:s13], [sflag:$0x3], $0x2000, $0x38;
	[tilespmem:$0xCAB0] =	vst v63  }
0x139: {  	_ = 	snop  }
0x13a: {  	[hbm4b:s8+s1] =	stream.linear.scatter [tilespmem:s14], [sflag:$0x3], $0x2000, $0x38;
	[tilespmem:$0xCAB0] =	vst v63  }
0x13b: {  	_ = 	snop  }
0x13c: {  	[hbm4b:s9+s1] =	stream.linear.scatter [tilespmem:s15], [sflag:$0x3], $0x2000, $0x38;
	[tilespmem:$0xCAB0] =	vst v63  }
0x13d: {  	_ = 	snop  }
0x13e: {  	[hbm4b:s10+s1] =	stream.linear.scatter [tilespmem:s16], [sflag:$0x3], $0x2000, $0x38;
	[tilespmem:$0xCAB0] =	vst v63  }
0x13f: {  	_ = 	snop  }
0x140: {  	[hbm4b:s11+s1] =	stream.linear.scatter [tilespmem:s17], [sflag:$0x3], $0x4000, $0x38;
	[tilespmem:$0xCAB0] =	vst v63  }
0x141: {  	_ =	swait.ge [sflag:s12], $0x2000  }
0x142: {  	[sflag:s12] =	ssyncset.done $0x0  }
0x143: {  	[sflag:s12] =	ssyncadd.s32 $0xFFFFE000  }
0x144: {  	_ =	swait.ge [sflag:s12], $0x2000  }
0x145: {  	[sflag:s12] =	ssyncset.done $0x0  }
0x146: {  	[sflag:s12] =	ssyncadd.s32 $0xFFFFE000  }
0x147: {  	_ =	swait.ge [sflag:s12], $0x2000  }
0x148: {  	[sflag:s12] =	ssyncset.done $0x0  }
0x149: {  	[sflag:s12] =	ssyncadd.s32 $0xFFFFE000  }
0x14a: {  	_ =	swait.ge [sflag:s12], $0x2000  }
0x14b: {  	[sflag:s12] =	ssyncset.done $0x0  }
0x14c: {  	[sflag:s12] =	ssyncadd.s32 $0xFFFFE000  }
0x14d: {  	_ =	swait.ge [sflag:s12], $0x4000  }
0x14e: {  	[sflag:s12] =	ssyncset.done $0x0  }
0x14f: {  	[sflag:s12] =	ssyncadd.s32 $0xFFFFC000  }
0x150: {  	_ =	sfence.sel $0x180000  }
0x151: {  	[bflag:$0x0] =	sbarrier.arrive $0xFFFF  }
0x152: {  	_ =	strace $0x90000047  }
0x153: {  	s0 =	sadd.s32 @!p0 $0x100000, s4;
	[bflag:$0x2] =	sbarrier.arrive $0xFFFF  }
0x154: {  	[sflag:s0] =	ssyncadd.tile.s32 @!p0 $0x1;
	_ =	shalt  }
.LBB2_2:
.Ltmp3:
0x155: {  	(pc) =	sbr.rel .LBB2_5-.Ltmp3, $4  }
0x156: {  	_ = 	snop  }
0x157: {  	s0 =	rddreg [dreg:$0xc]  }
0x158: {  	s3 =	rddreg [dreg:$0x7];
	s31 =	smov.u32 s4;
	s30 =	smov.u32 s6  }
0x159: {  	s6 =	smov.u32 s5;
	s5 =	rddreg [dreg:$0xb];
	s4 =	smov.u32 s0  }
.Lfunc_end2:
_tile_overlayer_lowered:
.L_overlay_start_2:
0x15a: {  	(tag) =	ssettag $0x2  }
0x15b: {  	s0 =	rddreg [dreg:$0x0];
	s2 =	stileid.u32  }
0x15c: {  	s1 =	rddreg [dreg:$0x1];
	p0 =	sne.s32 s2, $0x0  }
0x15d: {  	s3 =	rddreg [dreg:$0x2];
	[bflag:$0x3] =	sbarrier.arrive $0xFFFF;
	s2 =	simm.s32 @!p0 $0x1C04  }
0x15e: {  	[timem:s3], [sflag:s2] =	dma.local @!p0 [hbm:s0], s1  }
0x15f: {  	s0 =	simm.s32 @!p0 $0x4  }
0x160: {  	_ =	swait.ge @!p0 [sflag:s0], s1  }
0x161: {  	s1 =	ssub.s32 @!p0 $0x0, s1;
	[sflag:s0] =	ssyncset.done @!p0 $0x0  }
0x162: {  	[sflag:s0] =	ssyncadd.s32 @!p0 s1  }
0x163: {  	[bflag:$0x3] =	sbarrier.arrive $0xFFFF  }
0x164: {  	_ =	shalt  }

</sc_bundles>
